<compile_context>
chip_gen: v7x
topology: tpu7x:2x2x1
jax: 0.10.2.dev20260603
libtpu: 0.0.44.dev20260713+nightly
codegen_flags: <defaults>
</compile_context>

<pallas_src>
import functools

import jax
import jax.numpy as jnp
from jax import lax
from jax.experimental import pallas as pl
from jax.experimental.pallas import tpu as pltpu
from jax.experimental.pallas import tpu_sc as plsc

TRAJ = 16384
EMB = 64
HEMB = EMB // 2
VOCAB = 100000
NC = 2
NS = 16
NW = NC * NS
ROWS_PER_W = TRAJ // NW
CHUNK = 128
NCHUNK = ROWS_PER_W // CHUNK

SUB = 512
GROUP = 4 * SUB
TGRID = 49
PACKED_ROWS = TGRID * SUB
PACKED_FLAT = 4 * PACKED_ROWS


def _lrelu(y):
    return jnp.where(y >= 0, y, 0.01 * y)


def _rtne_bf16_bits(x):
    b = lax.bitcast_convert_type(x, jnp.uint32)
    return b + jnp.uint32(0x7FFF) + ((b >> 16) & jnp.uint32(1))


def _pack_bf16(ylo, yhi):
    lo = _rtne_bf16_bits(ylo) >> 16
    hi = _rtne_bf16_bits(yhi) & jnp.uint32(0xFFFF0000)
    return lax.bitcast_convert_type(lo | hi, jnp.float32)


def _tc_pack(tableT):

    def body(t0, t1, t2, t3, o_ref):
        row = lax.broadcasted_iota(jnp.int32, (4 * EMB, 2 * EMB), 0)
        col = lax.broadcasted_iota(jnp.int32, (4 * EMB, 2 * EMB), 1)
        same_sub = (row >> 6) == (col >> 5)
        d = row & 63
        j = col & 31
        sel_lo = (same_sub & (d == j)).astype(jnp.float32)
        sel_hi = (same_sub & (d == j + HEMB)).astype(jnp.float32)
        t = jnp.concatenate([t0[...], t1[...], t2[...], t3[...]], axis=0)
        ylo = lax.dot_general(t, sel_lo, (((0,), (0,)), ((), ())),
                              preferred_element_type=jnp.float32)
        yhi = lax.dot_general(t, sel_hi, (((0,), (0,)), ((), ())),
                              preferred_element_type=jnp.float32)
        o_ref[...] = _pack_bf16(ylo, yhi)

    return pl.pallas_call(
        body,
        grid=(TGRID,),
        in_specs=[
            pl.BlockSpec((EMB, SUB), lambda i, s=s: (0, 4 * i + s))
            for s in range(4)
        ],
        out_specs=pl.BlockSpec((SUB, 4 * HEMB), lambda i: (i, 0)),
        out_shape=jax.ShapeDtypeStruct((2 * PACKED_ROWS, 4 * HEMB), jnp.float32),
    )(tableT, tableT, tableT, tableT)


def _sc_gather(idx2d, packed_flat):
    mesh = plsc.VectorSubcoreMesh(core_axis_name="c", subcore_axis_name="s")

    @functools.partial(
        pl.kernel,
        mesh=mesh,
        out_type=jax.ShapeDtypeStruct((TRAJ, 2 * EMB), jnp.float32),
        scratch_types=[
            pltpu.VMEM((NCHUNK, CHUNK), jnp.int32),
            pltpu.VMEM((NCHUNK, CHUNK), jnp.int32),
            pltpu.VMEM((ROWS_PER_W, HEMB), jnp.float32),
            pltpu.SemaphoreType.DMA,
        ],
        compiler_params=pltpu.CompilerParams(use_tc_tiling_on_sc=False),
    )
    def k(idx_hbm, table_hbm, out_hbm, idx_raw, idx_t, rows_v, sem):
        wid = lax.axis_index("s") * NC + lax.axis_index("c")
        base = wid * ROWS_PER_W
        pltpu.sync_copy(idx_hbm.at[pl.ds(wid * NCHUNK, NCHUNK)], idx_raw)
        for c in range(NCHUNK):
            for kk in range(CHUNK // 16):
                v = idx_raw[c, pl.ds(kk * 16, 16)]
                grp = jnp.left_shift(jnp.right_shift(v, 11), 11)
                loc = jnp.left_shift(jnp.bitwise_and(v, jnp.int32(SUB - 1)), 2)
                sub = jnp.bitwise_and(jnp.right_shift(v, 9), jnp.int32(3))
                idx_t[c, pl.ds(kk * 16, 16)] = grp + loc + sub
        copies = [
            pltpu.make_async_copy(
                table_hbm.at[idx_t.at[c]],
                rows_v.at[pl.ds(c * CHUNK, CHUNK)],
                sem,
            )
            for c in range(NCHUNK)
        ]
        for cp in copies:
            cp.start()
        for cp in copies:
            cp.wait()
        pltpu.sync_copy(
            rows_v, out_hbm.at[pl.ds(base, ROWS_PER_W), pl.ds(0, HEMB)]
        )

    return k(idx2d, packed_flat)


def _tc_linear(g, W, b2d):

    def body(g_ref, w_ref, b_ref, o_ref):
        xi = lax.bitcast_convert_type(g_ref[:, 0:HEMB], jnp.uint32)
        xlo = lax.bitcast_convert_type(xi << 16, jnp.float32)
        xhi = lax.bitcast_convert_type(xi & jnp.uint32(0xFFFF0000), jnp.float32)
        ylo = lax.dot_general(w_ref[:, 0:HEMB], xlo, (((1,), (1,)), ((), ())),
                              preferred_element_type=jnp.float32)
        yhi = lax.dot_general(w_ref[:, HEMB:EMB], xhi, (((1,), (1,)), ((), ())),
                              preferred_element_type=jnp.float32)
        o_ref[0] = _lrelu(ylo + yhi + b_ref[...].T)

    blk = 2048
    return pl.pallas_call(
        body,
        grid=(TRAJ // blk,),
        in_specs=[
            pl.BlockSpec((blk, 2 * EMB), lambda i: (i, 0)),
            pl.BlockSpec((EMB, EMB), lambda i: (0, 0)),
            pl.BlockSpec((1, EMB), lambda i: (0, 0)),
        ],
        out_specs=pl.BlockSpec((1, EMB, blk), lambda i: (0, 0, i)),
        out_shape=jax.ShapeDtypeStruct((1, EMB, TRAJ), jnp.float32),
    )(g, W, b2d)


def kernel(acs, emb_table, W, b):
    tableT = jnp.transpose(emb_table)
    packed = _tc_pack(tableT)
    packed_flat = jnp.reshape(packed, (2 * PACKED_FLAT, HEMB))
    idx2d = jnp.reshape(acs.astype(jnp.int32), (TRAJ // CHUNK, CHUNK))
    g = _sc_gather(idx2d, packed_flat)
    out = _tc_linear(g, W, jnp.reshape(b, (1, EMB)))
    return jnp.transpose(out, (2, 0, 1))

# --- scband reference (transcript-rebuilt; emitter-appended) ---
"""Pipeline reference for scband-discrete-acs-encoder-31834297598845 (READ-ONLY COPY).

The authoritative reference and input builder live on the scoring server;
editing this copy changes nothing except your own understanding.
"""

import jax, jax.numpy as jnp
import numpy as np

ACTION_DIM = 100000
EMB_DIM = 64
TRAJ_LEN = 16384

def setup_inputs(seed: int = 0) -> dict:
    key = jax.random.key(seed)
    k1, k2, k3, k4 = jax.random.split(key, 4)
    acs = jax.random.randint(k1, (TRAJ_LEN, 1), 0, ACTION_DIM, dtype=jnp.int64 if jax.config.jax_enable_x64 else jnp.int32)
    emb_table = jax.random.normal(k2, (ACTION_DIM, EMB_DIM), dtype=jnp.float32)
    W = jax.random.normal(k3, (EMB_DIM, EMB_DIM), dtype=jnp.float32) * (1.0 / np.sqrt(EMB_DIM))
    b = jax.random.normal(k4, (EMB_DIM,), dtype=jnp.float32) * 0.01
    return {"acs": acs, "emb_table": emb_table, "W": W, "b": b}

def reference(acs, emb_table, W, b):
    # nn.Embedding: gather rows of the table -> (traj_len, 1, emb_dim)
    x = jnp.take(emb_table, acs, axis=0)
    # nn.Linear(emb_dim, emb_dim)
    x = jnp.einsum('tbd,od->tbo', x, W) + b
    # nn.LeakyReLU() default negative_slope=0.01
    out = jnp.where(x >= 0, x, 0.01 * x)
    return out

if __name__ == "__main__":
    import jax
    _d = setup_inputs()
    print(jax.jit(kernel)(*tuple(_d.values())))

</pallas_src>

<mosaic_0001>
#map = affine_map<(d0, d1) -> (0, 0)>
module attributes {stable_mosaic.version = 14 : i64} {
  func.func @k(%arg0: i32, %arg1: i32, %arg2: memref<128x128xi32, #tpu.memory_space<hbm>>, %arg3: memref<200704x32xf32, #tpu.memory_space<hbm>>, %arg4: memref<16384x128xf32, #tpu.memory_space<hbm>>, %arg5: memref<4x128xi32, #tpu.memory_space<vmem>>, %arg6: memref<4x128xi32, #tpu.memory_space<vmem>>, %arg7: memref<512x32xf32, #tpu.memory_space<vmem>>, %arg8: memref<!tpu.dma_semaphore, #tpu.memory_space<semaphore_mem>>) attributes {dimension_semantics = [#tpu.dimension_semantics<core_parallel>, #tpu.dimension_semantics<subcore_parallel>], iteration_bounds = array<i64: 2, 16>, scalar_prefetch = 0 : i64, scratch_operands = 4 : i64, tpu.core_type = #tpu.core_type<sc_vector_subcore>, window_params = [{transform_indices = #map}, {transform_indices = #map}, {transform_indices = #map}]} {
    %mul3A = arith.constant 2 : i32
    %mul3A_0 = arith.muli %arg1, %mul3A : i32
    %add3A = arith.addi %mul3A_0, %arg0 : i32
    %mul3A_1 = arith.constant 512 : i32
    %mul3A_2 = arith.muli %add3A, %mul3A_1 : i32
    %mul3A_3 = arith.constant 4 : i32
    %mul3A_4 = arith.muli %add3A, %mul3A_3 : i32
    "tpu.region"() ({
      %run_scoped3A = tpu.sem_alloc : memref<!tpu.dma_semaphore, #tpu.memory_space<semaphore_mem>>
      %dma_start3A_1070 = arith.constant 0 : i32
      %dma_start3A_1071 = tpu.memref_slice %arg2[%mul3A_4, %dma_start3A_1070] : memref<128x128xi32, #tpu.memory_space<hbm>> -> memref<4x128xi32, #tpu.memory_space<hbm>>
      %dma_start3A_1072 = arith.constant 0 : i32
      %dma_start3A_1073 = tpu.memref_slice %arg2[%mul3A_4, %dma_start3A_1072] : memref<128x128xi32, #tpu.memory_space<hbm>> -> memref<4x128xi32, #tpu.memory_space<hbm>>
      tpu.enqueue_dma source(%dma_start3A_1073 : memref<4x128xi32, #tpu.memory_space<hbm>>) target(%arg5 : memref<4x128xi32, #tpu.memory_space<vmem>>) target_semaphore(%run_scoped3A : memref<!tpu.dma_semaphore, #tpu.memory_space<semaphore_mem>>)
      %dma_wait3A_1074 = arith.constant 0 : i32
      %dma_wait3A_1075 = tpu.memref_slice %arg2[%mul3A_4, %dma_wait3A_1074] : memref<128x128xi32, #tpu.memory_space<hbm>> -> memref<4x128xi32, #tpu.memory_space<hbm>>
      %dma_wait3A_1076 = arith.constant 0 : i32
      %dma_wait3A_1077 = tpu.memref_slice %arg2[%mul3A_4, %dma_wait3A_1076] : memref<128x128xi32, #tpu.memory_space<hbm>> -> memref<4x128xi32, #tpu.memory_space<hbm>>
      tpu.wait_dma2 semaphore(%run_scoped3A : memref<!tpu.dma_semaphore, #tpu.memory_space<semaphore_mem>>) src(%dma_wait3A_1077 : memref<4x128xi32, #tpu.memory_space<hbm>>) dst(%arg5 : memref<4x128xi32, #tpu.memory_space<vmem>>)
      tpu.yield
    }) : () -> ()
    %get3A = arith.constant 0 : i32
    %get3A_5 = arith.index_cast %get3A : i32 to index
    %get3A_6 = arith.constant 0 : index
    %get3A_7 = tpu.vector_load %arg5[%get3A_5, %get3A_6] {strides = array<i32>} : memref<4x128xi32, #tpu.memory_space<vmem>>, vector<1x16xi32>,
    %get3A_8 = vector.shape_cast %get3A_7 : vector<1x16xi32> to vector<16xi32>
    %shift_right_arithmetic3A = arith.constant 11 : i32
    %shift_right_arithmetic3A_9 = vector.broadcast %shift_right_arithmetic3A : i32 to vector<16xi32>
    %shift_right_arithmetic3A_10 = arith.shrsi %get3A_8, %shift_right_arithmetic3A_9 : vector<16xi32>
    %shift_left3A = arith.constant 11 : i32
    %shift_left3A_11 = vector.broadcast %shift_left3A : i32 to vector<16xi32>
    %shift_left3A_12 = arith.shli %shift_right_arithmetic3A_10, %shift_left3A_11 : vector<16xi32>
    %and3A = arith.constant 511 : i32
    %and3A_13 = vector.broadcast %and3A : i32 to vector<16xi32>
    %and3A_14 = arith.andi %get3A_8, %and3A_13 : vector<16xi32>
    %shift_left3A_15 = arith.constant 2 : i32
    %shift_left3A_16 = vector.broadcast %shift_left3A_15 : i32 to vector<16xi32>
    %shift_left3A_17 = arith.shli %and3A_14, %shift_left3A_16 : vector<16xi32>
    %shift_right_arithmetic3A_18 = arith.constant 9 : i32
    %shift_right_arithmetic3A_19 = vector.broadcast %shift_right_arithmetic3A_18 : i32 to vector<16xi32>
    %shift_right_arithmetic3A_20 = arith.shrsi %get3A_8, %shift_right_arithmetic3A_19 : vector<16xi32>
    %and3A_21 = arith.constant 3 : i32
    %and3A_22 = vector.broadcast %and3A_21 : i32 to vector<16xi32>
    %and3A_23 = arith.andi %shift_right_arithmetic3A_20, %and3A_22 : vector<16xi32>
    %add3A_24 = arith.addi %shift_left3A_12, %shift_left3A_17 : vector<16xi32>
    %add3A_25 = arith.addi %add3A_24, %and3A_23 : vector<16xi32>
    %swap3A = arith.constant 0 : i32
    %swap3A_26 = arith.index_cast %swap3A : i32 to index
    %swap3A_27 = arith.constant 0 : index
    %swap3A_28 = tpu.vector_load %arg6[%swap3A_26, %swap3A_27] {strides = array<i32>} : memref<4x128xi32, #tpu.memory_space<vmem>>, vector<1x16xi32>,
    %swap3A_29 = vector.shape_cast %swap3A_28 : vector<1x16xi32> to vector<16xi32>
    %swap3A_30 = vector.shape_cast %add3A_25 : vector<16xi32> to vector<1x16xi32>
    tpu.vector_store %arg6[%swap3A_26, %swap3A_27], %swap3A_30 {strides = array<i32>} : memref<4x128xi32, #tpu.memory_space<vmem>>, vector<1x16xi32>,
    %get3A_31 = arith.constant 0 : i32
    %get3A_32 = arith.index_cast %get3A_31 : i32 to index
    %get3A_33 = arith.constant 16 : index
    %get3A_34 = tpu.vector_load %arg5[%get3A_32, %get3A_33] {strides = array<i32>} : memref<4x128xi32, #tpu.memory_space<vmem>>, vector<1x16xi32>,
    %get3A_35 = vector.shape_cast %get3A_34 : vector<1x16xi32> to vector<16xi32>
    %shift_right_arithmetic3A_36 = arith.constant 11 : i32
    %shift_right_arithmetic3A_37 = vector.broadcast %shift_right_arithmetic3A_36 : i32 to vector<16xi32>
    %shift_right_arithmetic3A_38 = arith.shrsi %get3A_35, %shift_right_arithmetic3A_37 : vector<16xi32>
    %shift_left3A_39 = arith.constant 11 : i32
    %shift_left3A_40 = vector.broadcast %shift_left3A_39 : i32 to vector<16xi32>
    %shift_left3A_41 = arith.shli %shift_right_arithmetic3A_38, %shift_left3A_40 : vector<16xi32>
    %and3A_42 = arith.constant 511 : i32
    %and3A_43 = vector.broadcast %and3A_42 : i32 to vector<16xi32>
    %and3A_44 = arith.andi %get3A_35, %and3A_43 : vector<16xi32>
    %shift_left3A_45 = arith.constant 2 : i32
    %shift_left3A_46 = vector.broadcast %shift_left3A_45 : i32 to vector<16xi32>
    %shift_left3A_47 = arith.shli %and3A_44, %shift_left3A_46 : vector<16xi32>
    %shift_right_arithmetic3A_48 = arith.constant 9 : i32
    %shift_right_arithmetic3A_49 = vector.broadcast %shift_right_arithmetic3A_48 : i32 to vector<16xi32>
    %shift_right_arithmetic3A_50 = arith.shrsi %get3A_35, %shift_right_arithmetic3A_49 : vector<16xi32>
    %and3A_51 = arith.constant 3 : i32
    %and3A_52 = vector.broadcast %and3A_51 : i32 to vector<16xi32>
    %and3A_53 = arith.andi %shift_right_arithmetic3A_50, %and3A_52 : vector<16xi32>
    %add3A_54 = arith.addi %shift_left3A_41, %shift_left3A_47 : vector<16xi32>
    %add3A_55 = arith.addi %add3A_54, %and3A_53 : vector<16xi32>
    %swap3A_56 = arith.constant 0 : i32
    %swap3A_57 = arith.index_cast %swap3A_56 : i32 to index
    %swap3A_58 = arith.constant 16 : index
    %swap3A_59 = tpu.vector_load %arg6[%swap3A_57, %swap3A_58] {strides = array<i32>} : memref<4x128xi32, #tpu.memory_space<vmem>>, vector<1x16xi32>,
    %swap3A_60 = vector.shape_cast %swap3A_59 : vector<1x16xi32> to vector<16xi32>
    %swap3A_61 = vector.shape_cast %add3A_55 : vector<16xi32> to vector<1x16xi32>
    tpu.vector_store %arg6[%swap3A_57, %swap3A_58], %swap3A_61 {strides = array<i32>} : memref<4x128xi32, #tpu.memory_space<vmem>>, vector<1x16xi32>,
    %get3A_62 = arith.constant 0 : i32
    %get3A_63 = arith.index_cast %get3A_62 : i32 to index
    %get3A_64 = arith.constant 32 : index
    %get3A_65 = tpu.vector_load %arg5[%get3A_63, %get3A_64] {strides = array<i32>} : memref<4x128xi32, #tpu.memory_space<vmem>>, vector<1x16xi32>,
    %get3A_66 = vector.shape_cast %get3A_65 : vector<1x16xi32> to vector<16xi32>
    %shift_right_arithmetic3A_67 = arith.constant 11 : i32
    %shift_right_arithmetic3A_68 = vector.broadcast %shift_right_arithmetic3A_67 : i32 to vector<16xi32>
    %shift_right_arithmetic3A_69 = arith.shrsi %get3A_66, %shift_right_arithmetic3A_68 : vector<16xi32>
    %shift_left3A_70 = arith.constant 11 : i32
    %shift_left3A_71 = vector.broadcast %shift_left3A_70 : i32 to vector<16xi32>
    %shift_left3A_72 = arith.shli %shift_right_arithmetic3A_69, %shift_left3A_71 : vector<16xi32>
    %and3A_73 = arith.constant 511 : i32
    %and3A_74 = vector.broadcast %and3A_73 : i32 to vector<16xi32>
    %and3A_75 = arith.andi %get3A_66, %and3A_74 : vector<16xi32>
    %shift_left3A_76 = arith.constant 2 : i32
    %shift_left3A_77 = vector.broadcast %shift_left3A_76 : i32 to vector<16xi32>
    %shift_left3A_78 = arith.shli %and3A_75, %shift_left3A_77 : vector<16xi32>
    %shift_right_arithmetic3A_79 = arith.constant 9 : i32
    %shift_right_arithmetic3A_80 = vector.broadcast %shift_right_arithmetic3A_79 : i32 to vector<16xi32>
    %shift_right_arithmetic3A_81 = arith.shrsi %get3A_66, %shift_right_arithmetic3A_80 : vector<16xi32>
    %and3A_82 = arith.constant 3 : i32
    %and3A_83 = vector.broadcast %and3A_82 : i32 to vector<16xi32>
    %and3A_84 = arith.andi %shift_right_arithmetic3A_81, %and3A_83 : vector<16xi32>
    %add3A_85 = arith.addi %shift_left3A_72, %shift_left3A_78 : vector<16xi32>
    %add3A_86 = arith.addi %add3A_85, %and3A_84 : vector<16xi32>
    %swap3A_87 = arith.constant 0 : i32
    %swap3A_88 = arith.index_cast %swap3A_87 : i32 to index
    %swap3A_89 = arith.constant 32 : index
    %swap3A_90 = tpu.vector_load %arg6[%swap3A_88, %swap3A_89] {strides = array<i32>} : memref<4x128xi32, #tpu.memory_space<vmem>>, vector<1x16xi32>,
    %swap3A_91 = vector.shape_cast %swap3A_90 : vector<1x16xi32> to vector<16xi32>
    %swap3A_92 = vector.shape_cast %add3A_86 : vector<16xi32> to vector<1x16xi32>
    tpu.vector_store %arg6[%swap3A_88, %swap3A_89], %swap3A_92 {strides = array<i32>} : memref<4x128xi32, #tpu.memory_space<vmem>>, vector<1x16xi32>,
    %get3A_93 = arith.constant 0 : i32
    %get3A_94 = arith.index_cast %get3A_93 : i32 to index
    %get3A_95 = arith.constant 48 : index
    %get3A_96 = tpu.vector_load %arg5[%get3A_94, %get3A_95] {strides = array<i32>} : memref<4x128xi32, #tpu.memory_space<vmem>>, vector<1x16xi32>,
    %get3A_97 = vector.shape_cast %get3A_96 : vector<1x16xi32> to vector<16xi32>
    %shift_right_arithmetic3A_98 = arith.constant 11 : i32
    %shift_right_arithmetic3A_99 = vector.broadcast %shift_right_arithmetic3A_98 : i32 to vector<16xi32>
    %shift_right_arithmetic3A_100 = arith.shrsi %get3A_97, %shift_right_arithmetic3A_99 : vector<16xi32>
    %shift_left3A_101 = arith.constant 11 : i32
    %shift_left3A_102 = vector.broadcast %shift_left3A_101 : i32 to vector<16xi32>
    %shift_left3A_103 = arith.shli %shift_right_arithmetic3A_100, %shift_left3A_102 : vector<16xi32>
    %and3A_104 = arith.constant 511 : i32
    %and3A_105 = vector.broadcast %and3A_104 : i32 to vector<16xi32>
    %and3A_106 = arith.andi %get3A_97, %and3A_105 : vector<16xi32>
    %shift_left3A_107 = arith.constant 2 : i32
    %shift_left3A_108 = vector.broadcast %shift_left3A_107 : i32 to vector<16xi32>
    %shift_left3A_109 = arith.shli %and3A_106, %shift_left3A_108 : vector<16xi32>
    %shift_right_arithmetic3A_110 = arith.constant 9 : i32
    %shift_right_arithmetic3A_111 = vector.broadcast %shift_right_arithmetic3A_110 : i32 to vector<16xi32>
    %shift_right_arithmetic3A_112 = arith.shrsi %get3A_97, %shift_right_arithmetic3A_111 : vector<16xi32>
    %and3A_113 = arith.constant 3 : i32
    %and3A_114 = vector.broadcast %and3A_113 : i32 to vector<16xi32>
    %and3A_115 = arith.andi %shift_right_arithmetic3A_112, %and3A_114 : vector<16xi32>
    %add3A_116 = arith.addi %shift_left3A_103, %shift_left3A_109 : vector<16xi32>
    %add3A_117 = arith.addi %add3A_116, %and3A_115 : vector<16xi32>
    %swap3A_118 = arith.constant 0 : i32
    %swap3A_119 = arith.index_cast %swap3A_118 : i32 to index
    %swap3A_120 = arith.constant 48 : index
    %swap3A_121 = tpu.vector_load %arg6[%swap3A_119, %swap3A_120] {strides = array<i32>} : memref<4x128xi32, #tpu.memory_space<vmem>>, vector<1x16xi32>,
    %swap3A_122 = vector.shape_cast %swap3A_121 : vector<1x16xi32> to vector<16xi32>
    %swap3A_123 = vector.shape_cast %add3A_117 : vector<16xi32> to vector<1x16xi32>
    tpu.vector_store %arg6[%swap3A_119, %swap3A_120], %swap3A_123 {strides = array<i32>} : memref<4x128xi32, #tpu.memory_space<vmem>>, vector<1x16xi32>,
    %get3A_124 = arith.constant 0 : i32
    %get3A_125 = arith.index_cast %get3A_124 : i32 to index
    %get3A_126 = arith.constant 64 : index
    %get3A_127 = tpu.vector_load %arg5[%get3A_125, %get3A_126] {strides = array<i32>} : memref<4x128xi32, #tpu.memory_space<vmem>>, vector<1x16xi32>,
    %get3A_128 = vector.shape_cast %get3A_127 : vector<1x16xi32> to vector<16xi32>
    %shift_right_arithmetic3A_129 = arith.constant 11 : i32
    %shift_right_arithmetic3A_130 = vector.broadcast %shift_right_arithmetic3A_129 : i32 to vector<16xi32>
    %shift_right_arithmetic3A_131 = arith.shrsi %get3A_128, %shift_right_arithmetic3A_130 : vector<16xi32>
    %shift_left3A_132 = arith.constant 11 : i32
    %shift_left3A_133 = vector.broadcast %shift_left3A_132 : i32 to vector<16xi32>
    %shift_left3A_134 = arith.shli %shift_right_arithmetic3A_131, %shift_left3A_133 : vector<16xi32>
    %and3A_135 = arith.constant 511 : i32
    %and3A_136 = vector.broadcast %and3A_135 : i32 to vector<16xi32>
    %and3A_137 = arith.andi %get3A_128, %and3A_136 : vector<16xi32>
    %shift_left3A_138 = arith.constant 2 : i32
    %shift_left3A_139 = vector.broadcast %shift_left3A_138 : i32 to vector<16xi32>
    %shift_left3A_140 = arith.shli %and3A_137, %shift_left3A_139 : vector<16xi32>
    %shift_right_arithmetic3A_141 = arith.constant 9 : i32
    %shift_right_arithmetic3A_142 = vector.broadcast %shift_right_arithmetic3A_141 : i32 to vector<16xi32>
    %shift_right_arithmetic3A_143 = arith.shrsi %get3A_128, %shift_right_arithmetic3A_142 : vector<16xi32>
    %and3A_144 = arith.constant 3 : i32
    %and3A_145 = vector.broadcast %and3A_144 : i32 to vector<16xi32>
    %and3A_146 = arith.andi %shift_right_arithmetic3A_143, %and3A_145 : vector<16xi32>
    %add3A_147 = arith.addi %shift_left3A_134, %shift_left3A_140 : vector<16xi32>
    %add3A_148 = arith.addi %add3A_147, %and3A_146 : vector<16xi32>
    %swap3A_149 = arith.constant 0 : i32
    %swap3A_150 = arith.index_cast %swap3A_149 : i32 to index
    %swap3A_151 = arith.constant 64 : index
    %swap3A_152 = tpu.vector_load %arg6[%swap3A_150, %swap3A_151] {strides = array<i32>} : memref<4x128xi32, #tpu.memory_space<vmem>>, vector<1x16xi32>,
    %swap3A_153 = vector.shape_cast %swap3A_152 : vector<1x16xi32> to vector<16xi32>
    %swap3A_154 = vector.shape_cast %add3A_148 : vector<16xi32> to vector<1x16xi32>
    tpu.vector_store %arg6[%swap3A_150, %swap3A_151], %swap3A_154 {strides = array<i32>} : memref<4x128xi32, #tpu.memory_space<vmem>>, vector<1x16xi32>,
    %get3A_155 = arith.constant 0 : i32
    %get3A_156 = arith.index_cast %get3A_155 : i32 to index
    %get3A_157 = arith.constant 80 : index
    %get3A_158 = tpu.vector_load %arg5[%get3A_156, %get3A_157] {strides = array<i32>} : memref<4x128xi32, #tpu.memory_space<vmem>>, vector<1x16xi32>,
    %get3A_159 = vector.shape_cast %get3A_158 : vector<1x16xi32> to vector<16xi32>
    %shift_right_arithmetic3A_160 = arith.constant 11 : i32
    %shift_right_arithmetic3A_161 = vector.broadcast %shift_right_arithmetic3A_160 : i32 to vector<16xi32>
    %shift_right_arithmetic3A_162 = arith.shrsi %get3A_159, %shift_right_arithmetic3A_161 : vector<16xi32>
    %shift_left3A_163 = arith.constant 11 : i32
    %shift_left3A_164 = vector.broadcast %shift_left3A_163 : i32 to vector<16xi32>
    %shift_left3A_165 = arith.shli %shift_right_arithmetic3A_162, %shift_left3A_164 : vector<16xi32>
    %and3A_166 = arith.constant 511 : i32
    %and3A_167 = vector.broadcast %and3A_166 : i32 to vector<16xi32>
    %and3A_168 = arith.andi %get3A_159, %and3A_167 : vector<16xi32>
    %shift_left3A_169 = arith.constant 2 : i32
    %shift_left3A_170 = vector.broadcast %shift_left3A_169 : i32 to vector<16xi32>
    %shift_left3A_171 = arith.shli %and3A_168, %shift_left3A_170 : vector<16xi32>
    %shift_right_arithmetic3A_172 = arith.constant 9 : i32
    %shift_right_arithmetic3A_173 = vector.broadcast %shift_right_arithmetic3A_172 : i32 to vector<16xi32>
    %shift_right_arithmetic3A_174 = arith.shrsi %get3A_159, %shift_right_arithmetic3A_173 : vector<16xi32>
    %and3A_175 = arith.constant 3 : i32
    %and3A_176 = vector.broadcast %and3A_175 : i32 to vector<16xi32>
    %and3A_177 = arith.andi %shift_right_arithmetic3A_174, %and3A_176 : vector<16xi32>
    %add3A_178 = arith.addi %shift_left3A_165, %shift_left3A_171 : vector<16xi32>
    %add3A_179 = arith.addi %add3A_178, %and3A_177 : vector<16xi32>
    %swap3A_180 = arith.constant 0 : i32
    %swap3A_181 = arith.index_cast %swap3A_180 : i32 to index
    %swap3A_182 = arith.constant 80 : index
    %swap3A_183 = tpu.vector_load %arg6[%swap3A_181, %swap3A_182] {strides = array<i32>} : memref<4x128xi32, #tpu.memory_space<vmem>>, vector<1x16xi32>,
    %swap3A_184 = vector.shape_cast %swap3A_183 : vector<1x16xi32> to vector<16xi32>
    %swap3A_185 = vector.shape_cast %add3A_179 : vector<16xi32> to vector<1x16xi32>
    tpu.vector_store %arg6[%swap3A_181, %swap3A_182], %swap3A_185 {strides = array<i32>} : memref<4x128xi32, #tpu.memory_space<vmem>>, vector<1x16xi32>,
    %get3A_186 = arith.constant 0 : i32
    %get3A_187 = arith.index_cast %get3A_186 : i32 to index
    %get3A_188 = arith.constant 96 : index
    %get3A_189 = tpu.vector_load %arg5[%get3A_187, %get3A_188] {strides = array<i32>} : memref<4x128xi32, #tpu.memory_space<vmem>>, vector<1x16xi32>,
    %get3A_190 = vector.shape_cast %get3A_189 : vector<1x16xi32> to vector<16xi32>
    %shift_right_arithmetic3A_191 = arith.constant 11 : i32
    %shift_right_arithmetic3A_192 = vector.broadcast %shift_right_arithmetic3A_191 : i32 to vector<16xi32>
    %shift_right_arithmetic3A_193 = arith.shrsi %get3A_190, %shift_right_arithmetic3A_192 : vector<16xi32>
    %shift_left3A_194 = arith.constant 11 : i32
    %shift_left3A_195 = vector.broadcast %shift_left3A_194 : i32 to vector<16xi32>
    %shift_left3A_196 = arith.shli %shift_right_arithmetic3A_193, %shift_left3A_195 : vector<16xi32>
    %and3A_197 = arith.constant 511 : i32
    %and3A_198 = vector.broadcast %and3A_197 : i32 to vector<16xi32>
    %and3A_199 = arith.andi %get3A_190, %and3A_198 : vector<16xi32>
    %shift_left3A_200 = arith.constant 2 : i32
    %shift_left3A_201 = vector.broadcast %shift_left3A_200 : i32 to vector<16xi32>
    %shift_left3A_202 = arith.shli %and3A_199, %shift_left3A_201 : vector<16xi32>
    %shift_right_arithmetic3A_203 = arith.constant 9 : i32
    %shift_right_arithmetic3A_204 = vector.broadcast %shift_right_arithmetic3A_203 : i32 to vector<16xi32>
    %shift_right_arithmetic3A_205 = arith.shrsi %get3A_190, %shift_right_arithmetic3A_204 : vector<16xi32>
    %and3A_206 = arith.constant 3 : i32
    %and3A_207 = vector.broadcast %and3A_206 : i32 to vector<16xi32>
    %and3A_208 = arith.andi %shift_right_arithmetic3A_205, %and3A_207 : vector<16xi32>
    %add3A_209 = arith.addi %shift_left3A_196, %shift_left3A_202 : vector<16xi32>
    %add3A_210 = arith.addi %add3A_209, %and3A_208 : vector<16xi32>
    %swap3A_211 = arith.constant 0 : i32
    %swap3A_212 = arith.index_cast %swap3A_211 : i32 to index
    %swap3A_213 = arith.constant 96 : index
    %swap3A_214 = tpu.vector_load %arg6[%swap3A_212, %swap3A_213] {strides = array<i32>} : memref<4x128xi32, #tpu.memory_space<vmem>>, vector<1x16xi32>,
    %swap3A_215 = vector.shape_cast %swap3A_214 : vector<1x16xi32> to vector<16xi32>
    %swap3A_216 = vector.shape_cast %add3A_210 : vector<16xi32> to vector<1x16xi32>
    tpu.vector_store %arg6[%swap3A_212, %swap3A_213], %swap3A_216 {strides = array<i32>} : memref<4x128xi32, #tpu.memory_space<vmem>>, vector<1x16xi32>,
    %get3A_217 = arith.constant 0 : i32
    %get3A_218 = arith.index_cast %get3A_217 : i32 to index
    %get3A_219 = arith.constant 112 : index
    %get3A_220 = tpu.vector_load %arg5[%get3A_218, %get3A_219] {strides = array<i32>} : memref<4x128xi32, #tpu.memory_space<vmem>>, vector<1x16xi32>,
    %get3A_221 = vector.shape_cast %get3A_220 : vector<1x16xi32> to vector<16xi32>
    %shift_right_arithmetic3A_222 = arith.constant 11 : i32
    %shift_right_arithmetic3A_223 = vector.broadcast %shift_right_arithmetic3A_222 : i32 to vector<16xi32>
    %shift_right_arithmetic3A_224 = arith.shrsi %get3A_221, %shift_right_arithmetic3A_223 : vector<16xi32>
    %shift_left3A_225 = arith.constant 11 : i32
    %shift_left3A_226 = vector.broadcast %shift_left3A_225 : i32 to vector<16xi32>
    %shift_left3A_227 = arith.shli %shift_right_arithmetic3A_224, %shift_left3A_226 : vector<16xi32>
    %and3A_228 = arith.constant 511 : i32
    %and3A_229 = vector.broadcast %and3A_228 : i32 to vector<16xi32>
    %and3A_230 = arith.andi %get3A_221, %and3A_229 : vector<16xi32>
    %shift_left3A_231 = arith.constant 2 : i32
    %shift_left3A_232 = vector.broadcast %shift_left3A_231 : i32 to vector<16xi32>
    %shift_left3A_233 = arith.shli %and3A_230, %shift_left3A_232 : vector<16xi32>
    %shift_right_arithmetic3A_234 = arith.constant 9 : i32
    %shift_right_arithmetic3A_235 = vector.broadcast %shift_right_arithmetic3A_234 : i32 to vector<16xi32>
    %shift_right_arithmetic3A_236 = arith.shrsi %get3A_221, %shift_right_arithmetic3A_235 : vector<16xi32>
    %and3A_237 = arith.constant 3 : i32
    %and3A_238 = vector.broadcast %and3A_237 : i32 to vector<16xi32>
    %and3A_239 = arith.andi %shift_right_arithmetic3A_236, %and3A_238 : vector<16xi32>
    %add3A_240 = arith.addi %shift_left3A_227, %shift_left3A_233 : vector<16xi32>
    %add3A_241 = arith.addi %add3A_240, %and3A_239 : vector<16xi32>
    %swap3A_242 = arith.constant 0 : i32
    %swap3A_243 = arith.index_cast %swap3A_242 : i32 to index
    %swap3A_244 = arith.constant 112 : index
    %swap3A_245 = tpu.vector_load %arg6[%swap3A_243, %swap3A_244] {strides = array<i32>} : memref<4x128xi32, #tpu.memory_space<vmem>>, vector<1x16xi32>,
    %swap3A_246 = vector.shape_cast %swap3A_245 : vector<1x16xi32> to vector<16xi32>
    %swap3A_247 = vector.shape_cast %add3A_241 : vector<16xi32> to vector<1x16xi32>
    tpu.vector_store %arg6[%swap3A_243, %swap3A_244], %swap3A_247 {strides = array<i32>} : memref<4x128xi32, #tpu.memory_space<vmem>>, vector<1x16xi32>,
    %get3A_248 = arith.constant 1 : i32
    %get3A_249 = arith.index_cast %get3A_248 : i32 to index
    %get3A_250 = arith.constant 0 : index
    %get3A_251 = tpu.vector_load %arg5[%get3A_249, %get3A_250] {strides = array<i32>} : memref<4x128xi32, #tpu.memory_space<vmem>>, vector<1x16xi32>,
    %get3A_252 = vector.shape_cast %get3A_251 : vector<1x16xi32> to vector<16xi32>
    %shift_right_arithmetic3A_253 = arith.constant 11 : i32
    %shift_right_arithmetic3A_254 = vector.broadcast %shift_right_arithmetic3A_253 : i32 to vector<16xi32>
    %shift_right_arithmetic3A_255 = arith.shrsi %get3A_252, %shift_right_arithmetic3A_254 : vector<16xi32>
    %shift_left3A_256 = arith.constant 11 : i32
    %shift_left3A_257 = vector.broadcast %shift_left3A_256 : i32 to vector<16xi32>
    %shift_left3A_258 = arith.shli %shift_right_arithmetic3A_255, %shift_left3A_257 : vector<16xi32>
    %and3A_259 = arith.constant 511 : i32
    %and3A_260 = vector.broadcast %and3A_259 : i32 to vector<16xi32>
    %and3A_261 = arith.andi %get3A_252, %and3A_260 : vector<16xi32>
    %shift_left3A_262 = arith.constant 2 : i32
    %shift_left3A_263 = vector.broadcast %shift_left3A_262 : i32 to vector<16xi32>
    %shift_left3A_264 = arith.shli %and3A_261, %shift_left3A_263 : vector<16xi32>
    %shift_right_arithmetic3A_265 = arith.constant 9 : i32
    %shift_right_arithmetic3A_266 = vector.broadcast %shift_right_arithmetic3A_265 : i32 to vector<16xi32>
    %shift_right_arithmetic3A_267 = arith.shrsi %get3A_252, %shift_right_arithmetic3A_266 : vector<16xi32>
    %and3A_268 = arith.constant 3 : i32
    %and3A_269 = vector.broadcast %and3A_268 : i32 to vector<16xi32>
    %and3A_270 = arith.andi %shift_right_arithmetic3A_267, %and3A_269 : vector<16xi32>
    %add3A_271 = arith.addi %shift_left3A_258, %shift_left3A_264 : vector<16xi32>
    %add3A_272 = arith.addi %add3A_271, %and3A_270 : vector<16xi32>
    %swap3A_273 = arith.constant 1 : i32
    %swap3A_274 = arith.index_cast %swap3A_273 : i32 to index
    %swap3A_275 = arith.constant 0 : index
    %swap3A_276 = tpu.vector_load %arg6[%swap3A_274, %swap3A_275] {strides = array<i32>} : memref<4x128xi32, #tpu.memory_space<vmem>>, vector<1x16xi32>,
    %swap3A_277 = vector.shape_cast %swap3A_276 : vector<1x16xi32> to vector<16xi32>
    %swap3A_278 = vector.shape_cast %add3A_272 : vector<16xi32> to vector<1x16xi32>
    tpu.vector_store %arg6[%swap3A_274, %swap3A_275], %swap3A_278 {strides = array<i32>} : memref<4x128xi32, #tpu.memory_space<vmem>>, vector<1x16xi32>,
    %get3A_279 = arith.constant 1 : i32
    %get3A_280 = arith.index_cast %get3A_279 : i32 to index
    %get3A_281 = arith.constant 16 : index
    %get3A_282 = tpu.vector_load %arg5[%get3A_280, %get3A_281] {strides = array<i32>} : memref<4x128xi32, #tpu.memory_space<vmem>>, vector<1x16xi32>,
    %get3A_283 = vector.shape_cast %get3A_282 : vector<1x16xi32> to vector<16xi32>
    %shift_right_arithmetic3A_284 = arith.constant 11 : i32
    %shift_right_arithmetic3A_285 = vector.broadcast %shift_right_arithmetic3A_284 : i32 to vector<16xi32>
    %shift_right_arithmetic3A_286 = arith.shrsi %get3A_283, %shift_right_arithmetic3A_285 : vector<16xi32>
    %shift_left3A_287 = arith.constant 11 : i32
    %shift_left3A_288 = vector.broadcast %shift_left3A_287 : i32 to vector<16xi32>
    %shift_left3A_289 = arith.shli %shift_right_arithmetic3A_286, %shift_left3A_288 : vector<16xi32>
    %and3A_290 = arith.constant 511 : i32
    %and3A_291 = vector.broadcast %and3A_290 : i32 to vector<16xi32>
    %and3A_292 = arith.andi %get3A_283, %and3A_291 : vector<16xi32>
    %shift_left3A_293 = arith.constant 2 : i32
    %shift_left3A_294 = vector.broadcast %shift_left3A_293 : i32 to vector<16xi32>
    %shift_left3A_295 = arith.shli %and3A_292, %shift_left3A_294 : vector<16xi32>
    %shift_right_arithmetic3A_296 = arith.constant 9 : i32
    %shift_right_arithmetic3A_297 = vector.broadcast %shift_right_arithmetic3A_296 : i32 to vector<16xi32>
    %shift_right_arithmetic3A_298 = arith.shrsi %get3A_283, %shift_right_arithmetic3A_297 : vector<16xi32>
    %and3A_299 = arith.constant 3 : i32
    %and3A_300 = vector.broadcast %and3A_299 : i32 to vector<16xi32>
    %and3A_301 = arith.andi %shift_right_arithmetic3A_298, %and3A_300 : vector<16xi32>
    %add3A_302 = arith.addi %shift_left3A_289, %shift_left3A_295 : vector<16xi32>
    %add3A_303 = arith.addi %add3A_302, %and3A_301 : vector<16xi32>
    %swap3A_304 = arith.constant 1 : i32
    %swap3A_305 = arith.index_cast %swap3A_304 : i32 to index
    %swap3A_306 = arith.constant 16 : index
    %swap3A_307 = tpu.vector_load %arg6[%swap3A_305, %swap3A_306] {strides = array<i32>} : memref<4x128xi32, #tpu.memory_space<vmem>>, vector<1x16xi32>,
    %swap3A_308 = vector.shape_cast %swap3A_307 : vector<1x16xi32> to vector<16xi32>
    %swap3A_309 = vector.shape_cast %add3A_303 : vector<16xi32> to vector<1x16xi32>
    tpu.vector_store %arg6[%swap3A_305, %swap3A_306], %swap3A_309 {strides = array<i32>} : memref<4x128xi32, #tpu.memory_space<vmem>>, vector<1x16xi32>,
    %get3A_310 = arith.constant 1 : i32
    %get3A_311 = arith.index_cast %get3A_310 : i32 to index
    %get3A_312 = arith.constant 32 : index
    %get3A_313 = tpu.vector_load %arg5[%get3A_311, %get3A_312] {strides = array<i32>} : memref<4x128xi32, #tpu.memory_space<vmem>>, vector<1x16xi32>,
    %get3A_314 = vector.shape_cast %get3A_313 : vector<1x16xi32> to vector<16xi32>
    %shift_right_arithmetic3A_315 = arith.constant 11 : i32
    %shift_right_arithmetic3A_316 = vector.broadcast %shift_right_arithmetic3A_315 : i32 to vector<16xi32>
    %shift_right_arithmetic3A_317 = arith.shrsi %get3A_314, %shift_right_arithmetic3A_316 : vector<16xi32>
    %shift_left3A_318 = arith.constant 11 : i32
    %shift_left3A_319 = vector.broadcast %shift_left3A_318 : i32 to vector<16xi32>
    %shift_left3A_320 = arith.shli %shift_right_arithmetic3A_317, %shift_left3A_319 : vector<16xi32>
    %and3A_321 = arith.constant 511 : i32
    %and3A_322 = vector.broadcast %and3A_321 : i32 to vector<16xi32>
    %and3A_323 = arith.andi %get3A_314, %and3A_322 : vector<16xi32>
    %shift_left3A_324 = arith.constant 2 : i32
    %shift_left3A_325 = vector.broadcast %shift_left3A_324 : i32 to vector<16xi32>
    %shift_left3A_326 = arith.shli %and3A_323, %shift_left3A_325 : vector<16xi32>
    %shift_right_arithmetic3A_327 = arith.constant 9 : i32
    %shift_right_arithmetic3A_328 = vector.broadcast %shift_right_arithmetic3A_327 : i32 to vector<16xi32>
    %shift_right_arithmetic3A_329 = arith.shrsi %get3A_314, %shift_right_arithmetic3A_328 : vector<16xi32>
    %and3A_330 = arith.constant 3 : i32
    %and3A_331 = vector.broadcast %and3A_330 : i32 to vector<16xi32>
    %and3A_332 = arith.andi %shift_right_arithmetic3A_329, %and3A_331 : vector<16xi32>
    %add3A_333 = arith.addi %shift_left3A_320, %shift_left3A_326 : vector<16xi32>
    %add3A_334 = arith.addi %add3A_333, %and3A_332 : vector<16xi32>
    %swap3A_335 = arith.constant 1 : i32
    %swap3A_336 = arith.index_cast %swap3A_335 : i32 to index
    %swap3A_337 = arith.constant 32 : index
    %swap3A_338 = tpu.vector_load %arg6[%swap3A_336, %swap3A_337] {strides = array<i32>} : memref<4x128xi32, #tpu.memory_space<vmem>>, vector<1x16xi32>,
    %swap3A_339 = vector.shape_cast %swap3A_338 : vector<1x16xi32> to vector<16xi32>
    %swap3A_340 = vector.shape_cast %add3A_334 : vector<16xi32> to vector<1x16xi32>
    tpu.vector_store %arg6[%swap3A_336, %swap3A_337], %swap3A_340 {strides = array<i32>} : memref<4x128xi32, #tpu.memory_space<vmem>>, vector<1x16xi32>,
    %get3A_341 = arith.constant 1 : i32
    %get3A_342 = arith.index_cast %get3A_341 : i32 to index
    %get3A_343 = arith.constant 48 : index
    %get3A_344 = tpu.vector_load %arg5[%get3A_342, %get3A_343] {strides = array<i32>} : memref<4x128xi32, #tpu.memory_space<vmem>>, vector<1x16xi32>,
    %get3A_345 = vector.shape_cast %get3A_344 : vector<1x16xi32> to vector<16xi32>
    %shift_right_arithmetic3A_346 = arith.constant 11 : i32
    %shift_right_arithmetic3A_347 = vector.broadcast %shift_right_arithmetic3A_346 : i32 to vector<16xi32>
    %shift_right_arithmetic3A_348 = arith.shrsi %get3A_345, %shift_right_arithmetic3A_347 : vector<16xi32>
    %shift_left3A_349 = arith.constant 11 : i32
    %shift_left3A_350 = vector.broadcast %shift_left3A_349 : i32 to vector<16xi32>
    %shift_left3A_351 = arith.shli %shift_right_arithmetic3A_348, %shift_left3A_350 : vector<16xi32>
    %and3A_352 = arith.constant 511 : i32
    %and3A_353 = vector.broadcast %and3A_352 : i32 to vector<16xi32>
    %and3A_354 = arith.andi %get3A_345, %and3A_353 : vector<16xi32>
    %shift_left3A_355 = arith.constant 2 : i32
    %shift_left3A_356 = vector.broadcast %shift_left3A_355 : i32 to vector<16xi32>
    %shift_left3A_357 = arith.shli %and3A_354, %shift_left3A_356 : vector<16xi32>
    %shift_right_arithmetic3A_358 = arith.constant 9 : i32
    %shift_right_arithmetic3A_359 = vector.broadcast %shift_right_arithmetic3A_358 : i32 to vector<16xi32>
    %shift_right_arithmetic3A_360 = arith.shrsi %get3A_345, %shift_right_arithmetic3A_359 : vector<16xi32>
    %and3A_361 = arith.constant 3 : i32
    %and3A_362 = vector.broadcast %and3A_361 : i32 to vector<16xi32>
    %and3A_363 = arith.andi %shift_right_arithmetic3A_360, %and3A_362 : vector<16xi32>
    %add3A_364 = arith.addi %shift_left3A_351, %shift_left3A_357 : vector<16xi32>
    %add3A_365 = arith.addi %add3A_364, %and3A_363 : vector<16xi32>
    %swap3A_366 = arith.constant 1 : i32
    %swap3A_367 = arith.index_cast %swap3A_366 : i32 to index
    %swap3A_368 = arith.constant 48 : index
    %swap3A_369 = tpu.vector_load %arg6[%swap3A_367, %swap3A_368] {strides = array<i32>} : memref<4x128xi32, #tpu.memory_space<vmem>>, vector<1x16xi32>,
    %swap3A_370 = vector.shape_cast %swap3A_369 : vector<1x16xi32> to vector<16xi32>
    %swap3A_371 = vector.shape_cast %add3A_365 : vector<16xi32> to vector<1x16xi32>
    tpu.vector_store %arg6[%swap3A_367, %swap3A_368], %swap3A_371 {strides = array<i32>} : memref<4x128xi32, #tpu.memory_space<vmem>>, vector<1x16xi32>,
    %get3A_372 = arith.constant 1 : i32
    %get3A_373 = arith.index_cast %get3A_372 : i32 to index
    %get3A_374 = arith.constant 64 : index
    %get3A_375 = tpu.vector_load %arg5[%get3A_373, %get3A_374] {strides = array<i32>} : memref<4x128xi32, #tpu.memory_space<vmem>>, vector<1x16xi32>,
    %get3A_376 = vector.shape_cast %get3A_375 : vector<1x16xi32> to vector<16xi32>
    %shift_right_arithmetic3A_377 = arith.constant 11 : i32
    %shift_right_arithmetic3A_378 = vector.broadcast %shift_right_arithmetic3A_377 : i32 to vector<16xi32>
    %shift_right_arithmetic3A_379 = arith.shrsi %get3A_376, %shift_right_arithmetic3A_378 : vector<16xi32>
    %shift_left3A_380 = arith.constant 11 : i32
    %shift_left3A_381 = vector.broadcast %shift_left3A_380 : i32 to vector<16xi32>
    %shift_left3A_382 = arith.shli %shift_right_arithmetic3A_379, %shift_left3A_381 : vector<16xi32>
    %and3A_383 = arith.constant 511 : i32
    %and3A_384 = vector.broadcast %and3A_383 : i32 to vector<16xi32>
    %and3A_385 = arith.andi %get3A_376, %and3A_384 : vector<16xi32>
    %shift_left3A_386 = arith.constant 2 : i32
    %shift_left3A_387 = vector.broadcast %shift_left3A_386 : i32 to vector<16xi32>
    %shift_left3A_388 = arith.shli %and3A_385, %shift_left3A_387 : vector<16xi32>
    %shift_right_arithmetic3A_389 = arith.constant 9 : i32
    %shift_right_arithmetic3A_390 = vector.broadcast %shift_right_arithmetic3A_389 : i32 to vector<16xi32>
    %shift_right_arithmetic3A_391 = arith.shrsi %get3A_376, %shift_right_arithmetic3A_390 : vector<16xi32>
    %and3A_392 = arith.constant 3 : i32
    %and3A_393 = vector.broadcast %and3A_392 : i32 to vector<16xi32>
    %and3A_394 = arith.andi %shift_right_arithmetic3A_391, %and3A_393 : vector<16xi32>
    %add3A_395 = arith.addi %shift_left3A_382, %shift_left3A_388 : vector<16xi32>
    %add3A_396 = arith.addi %add3A_395, %and3A_394 : vector<16xi32>
    %swap3A_397 = arith.constant 1 : i32
    %swap3A_398 = arith.index_cast %swap3A_397 : i32 to index
    %swap3A_399 = arith.constant 64 : index
    %swap3A_400 = tpu.vector_load %arg6[%swap3A_398, %swap3A_399] {strides = array<i32>} : memref<4x128xi32, #tpu.memory_space<vmem>>, vector<1x16xi32>,
    %swap3A_401 = vector.shape_cast %swap3A_400 : vector<1x16xi32> to vector<16xi32>
    %swap3A_402 = vector.shape_cast %add3A_396 : vector<16xi32> to vector<1x16xi32>
    tpu.vector_store %arg6[%swap3A_398, %swap3A_399], %swap3A_402 {strides = array<i32>} : memref<4x128xi32, #tpu.memory_space<vmem>>, vector<1x16xi32>,
    %get3A_403 = arith.constant 1 : i32
    %get3A_404 = arith.index_cast %get3A_403 : i32 to index
    %get3A_405 = arith.constant 80 : index
    %get3A_406 = tpu.vector_load %arg5[%get3A_404, %get3A_405] {strides = array<i32>} : memref<4x128xi32, #tpu.memory_space<vmem>>, vector<1x16xi32>,
    %get3A_407 = vector.shape_cast %get3A_406 : vector<1x16xi32> to vector<16xi32>
    %shift_right_arithmetic3A_408 = arith.constant 11 : i32
    %shift_right_arithmetic3A_409 = vector.broadcast %shift_right_arithmetic3A_408 : i32 to vector<16xi32>
    %shift_right_arithmetic3A_410 = arith.shrsi %get3A_407, %shift_right_arithmetic3A_409 : vector<16xi32>
    %shift_left3A_411 = arith.constant 11 : i32
    %shift_left3A_412 = vector.broadcast %shift_left3A_411 : i32 to vector<16xi32>
    %shift_left3A_413 = arith.shli %shift_right_arithmetic3A_410, %shift_left3A_412 : vector<16xi32>
    %and3A_414 = arith.constant 511 : i32
    %and3A_415 = vector.broadcast %and3A_414 : i32 to vector<16xi32>
    %and3A_416 = arith.andi %get3A_407, %and3A_415 : vector<16xi32>
    %shift_left3A_417 = arith.constant 2 : i32
    %shift_left3A_418 = vector.broadcast %shift_left3A_417 : i32 to vector<16xi32>
    %shift_left3A_419 = arith.shli %and3A_416, %shift_left3A_418 : vector<16xi32>
    %shift_right_arithmetic3A_420 = arith.constant 9 : i32
    %shift_right_arithmetic3A_421 = vector.broadcast %shift_right_arithmetic3A_420 : i32 to vector<16xi32>
    %shift_right_arithmetic3A_422 = arith.shrsi %get3A_407, %shift_right_arithmetic3A_421 : vector<16xi32>
    %and3A_423 = arith.constant 3 : i32
    %and3A_424 = vector.broadcast %and3A_423 : i32 to vector<16xi32>
    %and3A_425 = arith.andi %shift_right_arithmetic3A_422, %and3A_424 : vector<16xi32>
    %add3A_426 = arith.addi %shift_left3A_413, %shift_left3A_419 : vector<16xi32>
    %add3A_427 = arith.addi %add3A_426, %and3A_425 : vector<16xi32>
    %swap3A_428 = arith.constant 1 : i32
    %swap3A_429 = arith.index_cast %swap3A_428 : i32 to index
    %swap3A_430 = arith.constant 80 : index
    %swap3A_431 = tpu.vector_load %arg6[%swap3A_429, %swap3A_430] {strides = array<i32>} : memref<4x128xi32, #tpu.memory_space<vmem>>, vector<1x16xi32>,
    %swap3A_432 = vector.shape_cast %swap3A_431 : vector<1x16xi32> to vector<16xi32>
    %swap3A_433 = vector.shape_cast %add3A_427 : vector<16xi32> to vector<1x16xi32>
    tpu.vector_store %arg6[%swap3A_429, %swap3A_430], %swap3A_433 {strides = array<i32>} : memref<4x128xi32, #tpu.memory_space<vmem>>, vector<1x16xi32>,
    %get3A_434 = arith.constant 1 : i32
    %get3A_435 = arith.index_cast %get3A_434 : i32 to index
    %get3A_436 = arith.constant 96 : index
    %get3A_437 = tpu.vector_load %arg5[%get3A_435, %get3A_436] {strides = array<i32>} : memref<4x128xi32, #tpu.memory_space<vmem>>, vector<1x16xi32>,
    %get3A_438 = vector.shape_cast %get3A_437 : vector<1x16xi32> to vector<16xi32>
    %shift_right_arithmetic3A_439 = arith.constant 11 : i32
    %shift_right_arithmetic3A_440 = vector.broadcast %shift_right_arithmetic3A_439 : i32 to vector<16xi32>
    %shift_right_arithmetic3A_441 = arith.shrsi %get3A_438, %shift_right_arithmetic3A_440 : vector<16xi32>
    %shift_left3A_442 = arith.constant 11 : i32
    %shift_left3A_443 = vector.broadcast %shift_left3A_442 : i32 to vector<16xi32>
    %shift_left3A_444 = arith.shli %shift_right_arithmetic3A_441, %shift_left3A_443 : vector<16xi32>
    %and3A_445 = arith.constant 511 : i32
    %and3A_446 = vector.broadcast %and3A_445 : i32 to vector<16xi32>
    %and3A_447 = arith.andi %get3A_438, %and3A_446 : vector<16xi32>
    %shift_left3A_448 = arith.constant 2 : i32
    %shift_left3A_449 = vector.broadcast %shift_left3A_448 : i32 to vector<16xi32>
    %shift_left3A_450 = arith.shli %and3A_447, %shift_left3A_449 : vector<16xi32>
    %shift_right_arithmetic3A_451 = arith.constant 9 : i32
    %shift_right_arithmetic3A_452 = vector.broadcast %shift_right_arithmetic3A_451 : i32 to vector<16xi32>
    %shift_right_arithmetic3A_453 = arith.shrsi %get3A_438, %shift_right_arithmetic3A_452 : vector<16xi32>
    %and3A_454 = arith.constant 3 : i32
    %and3A_455 = vector.broadcast %and3A_454 : i32 to vector<16xi32>
    %and3A_456 = arith.andi %shift_right_arithmetic3A_453, %and3A_455 : vector<16xi32>
    %add3A_457 = arith.addi %shift_left3A_444, %shift_left3A_450 : vector<16xi32>
    %add3A_458 = arith.addi %add3A_457, %and3A_456 : vector<16xi32>
    %swap3A_459 = arith.constant 1 : i32
    %swap3A_460 = arith.index_cast %swap3A_459 : i32 to index
    %swap3A_461 = arith.constant 96 : index
    %swap3A_462 = tpu.vector_load %arg6[%swap3A_460, %swap3A_461] {strides = array<i32>} : memref<4x128xi32, #tpu.memory_space<vmem>>, vector<1x16xi32>,
    %swap3A_463 = vector.shape_cast %swap3A_462 : vector<1x16xi32> to vector<16xi32>
    %swap3A_464 = vector.shape_cast %add3A_458 : vector<16xi32> to vector<1x16xi32>
    tpu.vector_store %arg6[%swap3A_460, %swap3A_461], %swap3A_464 {strides = array<i32>} : memref<4x128xi32, #tpu.memory_space<vmem>>, vector<1x16xi32>,
    %get3A_465 = arith.constant 1 : i32
    %get3A_466 = arith.index_cast %get3A_465 : i32 to index
    %get3A_467 = arith.constant 112 : index
    %get3A_468 = tpu.vector_load %arg5[%get3A_466, %get3A_467] {strides = array<i32>} : memref<4x128xi32, #tpu.memory_space<vmem>>, vector<1x16xi32>,
    %get3A_469 = vector.shape_cast %get3A_468 : vector<1x16xi32> to vector<16xi32>
    %shift_right_arithmetic3A_470 = arith.constant 11 : i32
    %shift_right_arithmetic3A_471 = vector.broadcast %shift_right_arithmetic3A_470 : i32 to vector<16xi32>
    %shift_right_arithmetic3A_472 = arith.shrsi %get3A_469, %shift_right_arithmetic3A_471 : vector<16xi32>
    %shift_left3A_473 = arith.constant 11 : i32
    %shift_left3A_474 = vector.broadcast %shift_left3A_473 : i32 to vector<16xi32>
    %shift_left3A_475 = arith.shli %shift_right_arithmetic3A_472, %shift_left3A_474 : vector<16xi32>
    %and3A_476 = arith.constant 511 : i32
    %and3A_477 = vector.broadcast %and3A_476 : i32 to vector<16xi32>
    %and3A_478 = arith.andi %get3A_469, %and3A_477 : vector<16xi32>
    %shift_left3A_479 = arith.constant 2 : i32
    %shift_left3A_480 = vector.broadcast %shift_left3A_479 : i32 to vector<16xi32>
    %shift_left3A_481 = arith.shli %and3A_478, %shift_left3A_480 : vector<16xi32>
    %shift_right_arithmetic3A_482 = arith.constant 9 : i32
    %shift_right_arithmetic3A_483 = vector.broadcast %shift_right_arithmetic3A_482 : i32 to vector<16xi32>
    %shift_right_arithmetic3A_484 = arith.shrsi %get3A_469, %shift_right_arithmetic3A_483 : vector<16xi32>
    %and3A_485 = arith.constant 3 : i32
    %and3A_486 = vector.broadcast %and3A_485 : i32 to vector<16xi32>
    %and3A_487 = arith.andi %shift_right_arithmetic3A_484, %and3A_486 : vector<16xi32>
    %add3A_488 = arith.addi %shift_left3A_475, %shift_left3A_481 : vector<16xi32>
    %add3A_489 = arith.addi %add3A_488, %and3A_487 : vector<16xi32>
    %swap3A_490 = arith.constant 1 : i32
    %swap3A_491 = arith.index_cast %swap3A_490 : i32 to index
    %swap3A_492 = arith.constant 112 : index
    %swap3A_493 = tpu.vector_load %arg6[%swap3A_491, %swap3A_492] {strides = array<i32>} : memref<4x128xi32, #tpu.memory_space<vmem>>, vector<1x16xi32>,
    %swap3A_494 = vector.shape_cast %swap3A_493 : vector<1x16xi32> to vector<16xi32>
    %swap3A_495 = vector.shape_cast %add3A_489 : vector<16xi32> to vector<1x16xi32>
    tpu.vector_store %arg6[%swap3A_491, %swap3A_492], %swap3A_495 {strides = array<i32>} : memref<4x128xi32, #tpu.memory_space<vmem>>, vector<1x16xi32>,
    %get3A_496 = arith.constant 2 : i32
    %get3A_497 = arith.index_cast %get3A_496 : i32 to index
    %get3A_498 = arith.constant 0 : index
    %get3A_499 = tpu.vector_load %arg5[%get3A_497, %get3A_498] {strides = array<i32>} : memref<4x128xi32, #tpu.memory_space<vmem>>, vector<1x16xi32>,
    %get3A_500 = vector.shape_cast %get3A_499 : vector<1x16xi32> to vector<16xi32>
    %shift_right_arithmetic3A_501 = arith.constant 11 : i32
    %shift_right_arithmetic3A_502 = vector.broadcast %shift_right_arithmetic3A_501 : i32 to vector<16xi32>
    %shift_right_arithmetic3A_503 = arith.shrsi %get3A_500, %shift_right_arithmetic3A_502 : vector<16xi32>
    %shift_left3A_504 = arith.constant 11 : i32
    %shift_left3A_505 = vector.broadcast %shift_left3A_504 : i32 to vector<16xi32>
    %shift_left3A_506 = arith.shli %shift_right_arithmetic3A_503, %shift_left3A_505 : vector<16xi32>
    %and3A_507 = arith.constant 511 : i32
    %and3A_508 = vector.broadcast %and3A_507 : i32 to vector<16xi32>
    %and3A_509 = arith.andi %get3A_500, %and3A_508 : vector<16xi32>
    %shift_left3A_510 = arith.constant 2 : i32
    %shift_left3A_511 = vector.broadcast %shift_left3A_510 : i32 to vector<16xi32>
    %shift_left3A_512 = arith.shli %and3A_509, %shift_left3A_511 : vector<16xi32>
    %shift_right_arithmetic3A_513 = arith.constant 9 : i32
    %shift_right_arithmetic3A_514 = vector.broadcast %shift_right_arithmetic3A_513 : i32 to vector<16xi32>
    %shift_right_arithmetic3A_515 = arith.shrsi %get3A_500, %shift_right_arithmetic3A_514 : vector<16xi32>
    %and3A_516 = arith.constant 3 : i32
    %and3A_517 = vector.broadcast %and3A_516 : i32 to vector<16xi32>
    %and3A_518 = arith.andi %shift_right_arithmetic3A_515, %and3A_517 : vector<16xi32>
    %add3A_519 = arith.addi %shift_left3A_506, %shift_left3A_512 : vector<16xi32>
    %add3A_520 = arith.addi %add3A_519, %and3A_518 : vector<16xi32>
    %swap3A_521 = arith.constant 2 : i32
    %swap3A_522 = arith.index_cast %swap3A_521 : i32 to index
    %swap3A_523 = arith.constant 0 : index
    %swap3A_524 = tpu.vector_load %arg6[%swap3A_522, %swap3A_523] {strides = array<i32>} : memref<4x128xi32, #tpu.memory_space<vmem>>, vector<1x16xi32>,
    %swap3A_525 = vector.shape_cast %swap3A_524 : vector<1x16xi32> to vector<16xi32>
    %swap3A_526 = vector.shape_cast %add3A_520 : vector<16xi32> to vector<1x16xi32>
    tpu.vector_store %arg6[%swap3A_522, %swap3A_523], %swap3A_526 {strides = array<i32>} : memref<4x128xi32, #tpu.memory_space<vmem>>, vector<1x16xi32>,
    %get3A_527 = arith.constant 2 : i32
    %get3A_528 = arith.index_cast %get3A_527 : i32 to index
    %get3A_529 = arith.constant 16 : index
    %get3A_530 = tpu.vector_load %arg5[%get3A_528, %get3A_529] {strides = array<i32>} : memref<4x128xi32, #tpu.memory_space<vmem>>, vector<1x16xi32>,
    %get3A_531 = vector.shape_cast %get3A_530 : vector<1x16xi32> to vector<16xi32>
    %shift_right_arithmetic3A_532 = arith.constant 11 : i32
    %shift_right_arithmetic3A_533 = vector.broadcast %shift_right_arithmetic3A_532 : i32 to vector<16xi32>
    %shift_right_arithmetic3A_534 = arith.shrsi %get3A_531, %shift_right_arithmetic3A_533 : vector<16xi32>
    %shift_left3A_535 = arith.constant 11 : i32
    %shift_left3A_536 = vector.broadcast %shift_left3A_535 : i32 to vector<16xi32>
    %shift_left3A_537 = arith.shli %shift_right_arithmetic3A_534, %shift_left3A_536 : vector<16xi32>
    %and3A_538 = arith.constant 511 : i32
    %and3A_539 = vector.broadcast %and3A_538 : i32 to vector<16xi32>
    %and3A_540 = arith.andi %get3A_531, %and3A_539 : vector<16xi32>
    %shift_left3A_541 = arith.constant 2 : i32
    %shift_left3A_542 = vector.broadcast %shift_left3A_541 : i32 to vector<16xi32>
    %shift_left3A_543 = arith.shli %and3A_540, %shift_left3A_542 : vector<16xi32>
    %shift_right_arithmetic3A_544 = arith.constant 9 : i32
    %shift_right_arithmetic3A_545 = vector.broadcast %shift_right_arithmetic3A_544 : i32 to vector<16xi32>
    %shift_right_arithmetic3A_546 = arith.shrsi %get3A_531, %shift_right_arithmetic3A_545 : vector<16xi32>
    %and3A_547 = arith.constant 3 : i32
    %and3A_548 = vector.broadcast %and3A_547 : i32 to vector<16xi32>
    %and3A_549 = arith.andi %shift_right_arithmetic3A_546, %and3A_548 : vector<16xi32>
    %add3A_550 = arith.addi %shift_left3A_537, %shift_left3A_543 : vector<16xi32>
    %add3A_551 = arith.addi %add3A_550, %and3A_549 : vector<16xi32>
    %swap3A_552 = arith.constant 2 : i32
    %swap3A_553 = arith.index_cast %swap3A_552 : i32 to index
    %swap3A_554 = arith.constant 16 : index
    %swap3A_555 = tpu.vector_load %arg6[%swap3A_553, %swap3A_554] {strides = array<i32>} : memref<4x128xi32, #tpu.memory_space<vmem>>, vector<1x16xi32>,
    %swap3A_556 = vector.shape_cast %swap3A_555 : vector<1x16xi32> to vector<16xi32>
    %swap3A_557 = vector.shape_cast %add3A_551 : vector<16xi32> to vector<1x16xi32>
    tpu.vector_store %arg6[%swap3A_553, %swap3A_554], %swap3A_557 {strides = array<i32>} : memref<4x128xi32, #tpu.memory_space<vmem>>, vector<1x16xi32>,
    %get3A_558 = arith.constant 2 : i32
    %get3A_559 = arith.index_cast %get3A_558 : i32 to index
    %get3A_560 = arith.constant 32 : index
    %get3A_561 = tpu.vector_load %arg5[%get3A_559, %get3A_560] {strides = array<i32>} : memref<4x128xi32, #tpu.memory_space<vmem>>, vector<1x16xi32>,
    %get3A_562 = vector.shape_cast %get3A_561 : vector<1x16xi32> to vector<16xi32>
    %shift_right_arithmetic3A_563 = arith.constant 11 : i32
    %shift_right_arithmetic3A_564 = vector.broadcast %shift_right_arithmetic3A_563 : i32 to vector<16xi32>
    %shift_right_arithmetic3A_565 = arith.shrsi %get3A_562, %shift_right_arithmetic3A_564 : vector<16xi32>
    %shift_left3A_566 = arith.constant 11 : i32
    %shift_left3A_567 = vector.broadcast %shift_left3A_566 : i32 to vector<16xi32>
    %shift_left3A_568 = arith.shli %shift_right_arithmetic3A_565, %shift_left3A_567 : vector<16xi32>
    %and3A_569 = arith.constant 511 : i32
    %and3A_570 = vector.broadcast %and3A_569 : i32 to vector<16xi32>
    %and3A_571 = arith.andi %get3A_562, %and3A_570 : vector<16xi32>
    %shift_left3A_572 = arith.constant 2 : i32
    %shift_left3A_573 = vector.broadcast %shift_left3A_572 : i32 to vector<16xi32>
    %shift_left3A_574 = arith.shli %and3A_571, %shift_left3A_573 : vector<16xi32>
    %shift_right_arithmetic3A_575 = arith.constant 9 : i32
    %shift_right_arithmetic3A_576 = vector.broadcast %shift_right_arithmetic3A_575 : i32 to vector<16xi32>
    %shift_right_arithmetic3A_577 = arith.shrsi %get3A_562, %shift_right_arithmetic3A_576 : vector<16xi32>
    %and3A_578 = arith.constant 3 : i32
    %and3A_579 = vector.broadcast %and3A_578 : i32 to vector<16xi32>
    %and3A_580 = arith.andi %shift_right_arithmetic3A_577, %and3A_579 : vector<16xi32>
    %add3A_581 = arith.addi %shift_left3A_568, %shift_left3A_574 : vector<16xi32>
    %add3A_582 = arith.addi %add3A_581, %and3A_580 : vector<16xi32>
    %swap3A_583 = arith.constant 2 : i32
    %swap3A_584 = arith.index_cast %swap3A_583 : i32 to index
    %swap3A_585 = arith.constant 32 : index
    %swap3A_586 = tpu.vector_load %arg6[%swap3A_584, %swap3A_585] {strides = array<i32>} : memref<4x128xi32, #tpu.memory_space<vmem>>, vector<1x16xi32>,
    %swap3A_587 = vector.shape_cast %swap3A_586 : vector<1x16xi32> to vector<16xi32>
    %swap3A_588 = vector.shape_cast %add3A_582 : vector<16xi32> to vector<1x16xi32>
    tpu.vector_store %arg6[%swap3A_584, %swap3A_585], %swap3A_588 {strides = array<i32>} : memref<4x128xi32, #tpu.memory_space<vmem>>, vector<1x16xi32>,
    %get3A_589 = arith.constant 2 : i32
    %get3A_590 = arith.index_cast %get3A_589 : i32 to index
    %get3A_591 = arith.constant 48 : index
    %get3A_592 = tpu.vector_load %arg5[%get3A_590, %get3A_591] {strides = array<i32>} : memref<4x128xi32, #tpu.memory_space<vmem>>, vector<1x16xi32>,
    %get3A_593 = vector.shape_cast %get3A_592 : vector<1x16xi32> to vector<16xi32>
    %shift_right_arithmetic3A_594 = arith.constant 11 : i32
    %shift_right_arithmetic3A_595 = vector.broadcast %shift_right_arithmetic3A_594 : i32 to vector<16xi32>
    %shift_right_arithmetic3A_596 = arith.shrsi %get3A_593, %shift_right_arithmetic3A_595 : vector<16xi32>
    %shift_left3A_597 = arith.constant 11 : i32
    %shift_left3A_598 = vector.broadcast %shift_left3A_597 : i32 to vector<16xi32>
    %shift_left3A_599 = arith.shli %shift_right_arithmetic3A_596, %shift_left3A_598 : vector<16xi32>
    %and3A_600 = arith.constant 511 : i32
    %and3A_601 = vector.broadcast %and3A_600 : i32 to vector<16xi32>
    %and3A_602 = arith.andi %get3A_593, %and3A_601 : vector<16xi32>
    %shift_left3A_603 = arith.constant 2 : i32
    %shift_left3A_604 = vector.broadcast %shift_left3A_603 : i32 to vector<16xi32>
    %shift_left3A_605 = arith.shli %and3A_602, %shift_left3A_604 : vector<16xi32>
    %shift_right_arithmetic3A_606 = arith.constant 9 : i32
    %shift_right_arithmetic3A_607 = vector.broadcast %shift_right_arithmetic3A_606 : i32 to vector<16xi32>
    %shift_right_arithmetic3A_608 = arith.shrsi %get3A_593, %shift_right_arithmetic3A_607 : vector<16xi32>
    %and3A_609 = arith.constant 3 : i32
    %and3A_610 = vector.broadcast %and3A_609 : i32 to vector<16xi32>
    %and3A_611 = arith.andi %shift_right_arithmetic3A_608, %and3A_610 : vector<16xi32>
    %add3A_612 = arith.addi %shift_left3A_599, %shift_left3A_605 : vector<16xi32>
    %add3A_613 = arith.addi %add3A_612, %and3A_611 : vector<16xi32>
    %swap3A_614 = arith.constant 2 : i32
    %swap3A_615 = arith.index_cast %swap3A_614 : i32 to index
    %swap3A_616 = arith.constant 48 : index
    %swap3A_617 = tpu.vector_load %arg6[%swap3A_615, %swap3A_616] {strides = array<i32>} : memref<4x128xi32, #tpu.memory_space<vmem>>, vector<1x16xi32>,
    %swap3A_618 = vector.shape_cast %swap3A_617 : vector<1x16xi32> to vector<16xi32>
    %swap3A_619 = vector.shape_cast %add3A_613 : vector<16xi32> to vector<1x16xi32>
    tpu.vector_store %arg6[%swap3A_615, %swap3A_616], %swap3A_619 {strides = array<i32>} : memref<4x128xi32, #tpu.memory_space<vmem>>, vector<1x16xi32>,
    %get3A_620 = arith.constant 2 : i32
    %get3A_621 = arith.index_cast %get3A_620 : i32 to index
    %get3A_622 = arith.constant 64 : index
    %get3A_623 = tpu.vector_load %arg5[%get3A_621, %get3A_622] {strides = array<i32>} : memref<4x128xi32, #tpu.memory_space<vmem>>, vector<1x16xi32>,
    %get3A_624 = vector.shape_cast %get3A_623 : vector<1x16xi32> to vector<16xi32>
    %shift_right_arithmetic3A_625 = arith.constant 11 : i32
    %shift_right_arithmetic3A_626 = vector.broadcast %shift_right_arithmetic3A_625 : i32 to vector<16xi32>
    %shift_right_arithmetic3A_627 = arith.shrsi %get3A_624, %shift_right_arithmetic3A_626 : vector<16xi32>
    %shift_left3A_628 = arith.constant 11 : i32
    %shift_left3A_629 = vector.broadcast %shift_left3A_628 : i32 to vector<16xi32>
    %shift_left3A_630 = arith.shli %shift_right_arithmetic3A_627, %shift_left3A_629 : vector<16xi32>
    %and3A_631 = arith.constant 511 : i32
    %and3A_632 = vector.broadcast %and3A_631 : i32 to vector<16xi32>
    %and3A_633 = arith.andi %get3A_624, %and3A_632 : vector<16xi32>
    %shift_left3A_634 = arith.constant 2 : i32
    %shift_left3A_635 = vector.broadcast %shift_left3A_634 : i32 to vector<16xi32>
    %shift_left3A_636 = arith.shli %and3A_633, %shift_left3A_635 : vector<16xi32>
    %shift_right_arithmetic3A_637 = arith.constant 9 : i32
    %shift_right_arithmetic3A_638 = vector.broadcast %shift_right_arithmetic3A_637 : i32 to vector<16xi32>
    %shift_right_arithmetic3A_639 = arith.shrsi %get3A_624, %shift_right_arithmetic3A_638 : vector<16xi32>
    %and3A_640 = arith.constant 3 : i32
    %and3A_641 = vector.broadcast %and3A_640 : i32 to vector<16xi32>
    %and3A_642 = arith.andi %shift_right_arithmetic3A_639, %and3A_641 : vector<16xi32>
    %add3A_643 = arith.addi %shift_left3A_630, %shift_left3A_636 : vector<16xi32>
    %add3A_644 = arith.addi %add3A_643, %and3A_642 : vector<16xi32>
    %swap3A_645 = arith.constant 2 : i32
    %swap3A_646 = arith.index_cast %swap3A_645 : i32 to index
    %swap3A_647 = arith.constant 64 : index
    %swap3A_648 = tpu.vector_load %arg6[%swap3A_646, %swap3A_647] {strides = array<i32>} : memref<4x128xi32, #tpu.memory_space<vmem>>, vector<1x16xi32>,
    %swap3A_649 = vector.shape_cast %swap3A_648 : vector<1x16xi32> to vector<16xi32>
    %swap3A_650 = vector.shape_cast %add3A_644 : vector<16xi32> to vector<1x16xi32>
    tpu.vector_store %arg6[%swap3A_646, %swap3A_647], %swap3A_650 {strides = array<i32>} : memref<4x128xi32, #tpu.memory_space<vmem>>, vector<1x16xi32>,
    %get3A_651 = arith.constant 2 : i32
    %get3A_652 = arith.index_cast %get3A_651 : i32 to index
    %get3A_653 = arith.constant 80 : index
    %get3A_654 = tpu.vector_load %arg5[%get3A_652, %get3A_653] {strides = array<i32>} : memref<4x128xi32, #tpu.memory_space<vmem>>, vector<1x16xi32>,
    %get3A_655 = vector.shape_cast %get3A_654 : vector<1x16xi32> to vector<16xi32>
    %shift_right_arithmetic3A_656 = arith.constant 11 : i32
    %shift_right_arithmetic3A_657 = vector.broadcast %shift_right_arithmetic3A_656 : i32 to vector<16xi32>
    %shift_right_arithmetic3A_658 = arith.shrsi %get3A_655, %shift_right_arithmetic3A_657 : vector<16xi32>
    %shift_left3A_659 = arith.constant 11 : i32
    %shift_left3A_660 = vector.broadcast %shift_left3A_659 : i32 to vector<16xi32>
    %shift_left3A_661 = arith.shli %shift_right_arithmetic3A_658, %shift_left3A_660 : vector<16xi32>
    %and3A_662 = arith.constant 511 : i32
    %and3A_663 = vector.broadcast %and3A_662 : i32 to vector<16xi32>
    %and3A_664 = arith.andi %get3A_655, %and3A_663 : vector<16xi32>
    %shift_left3A_665 = arith.constant 2 : i32
    %shift_left3A_666 = vector.broadcast %shift_left3A_665 : i32 to vector<16xi32>
    %shift_left3A_667 = arith.shli %and3A_664, %shift_left3A_666 : vector<16xi32>
    %shift_right_arithmetic3A_668 = arith.constant 9 : i32
    %shift_right_arithmetic3A_669 = vector.broadcast %shift_right_arithmetic3A_668 : i32 to vector<16xi32>
    %shift_right_arithmetic3A_670 = arith.shrsi %get3A_655, %shift_right_arithmetic3A_669 : vector<16xi32>
    %and3A_671 = arith.constant 3 : i32
    %and3A_672 = vector.broadcast %and3A_671 : i32 to vector<16xi32>
    %and3A_673 = arith.andi %shift_right_arithmetic3A_670, %and3A_672 : vector<16xi32>
    %add3A_674 = arith.addi %shift_left3A_661, %shift_left3A_667 : vector<16xi32>
    %add3A_675 = arith.addi %add3A_674, %and3A_673 : vector<16xi32>
    %swap3A_676 = arith.constant 2 : i32
    %swap3A_677 = arith.index_cast %swap3A_676 : i32 to index
    %swap3A_678 = arith.constant 80 : index
    %swap3A_679 = tpu.vector_load %arg6[%swap3A_677, %swap3A_678] {strides = array<i32>} : memref<4x128xi32, #tpu.memory_space<vmem>>, vector<1x16xi32>,
    %swap3A_680 = vector.shape_cast %swap3A_679 : vector<1x16xi32> to vector<16xi32>
    %swap3A_681 = vector.shape_cast %add3A_675 : vector<16xi32> to vector<1x16xi32>
    tpu.vector_store %arg6[%swap3A_677, %swap3A_678], %swap3A_681 {strides = array<i32>} : memref<4x128xi32, #tpu.memory_space<vmem>>, vector<1x16xi32>,
    %get3A_682 = arith.constant 2 : i32
    %get3A_683 = arith.index_cast %get3A_682 : i32 to index
    %get3A_684 = arith.constant 96 : index
    %get3A_685 = tpu.vector_load %arg5[%get3A_683, %get3A_684] {strides = array<i32>} : memref<4x128xi32, #tpu.memory_space<vmem>>, vector<1x16xi32>,
    %get3A_686 = vector.shape_cast %get3A_685 : vector<1x16xi32> to vector<16xi32>
    %shift_right_arithmetic3A_687 = arith.constant 11 : i32
    %shift_right_arithmetic3A_688 = vector.broadcast %shift_right_arithmetic3A_687 : i32 to vector<16xi32>
    %shift_right_arithmetic3A_689 = arith.shrsi %get3A_686, %shift_right_arithmetic3A_688 : vector<16xi32>
    %shift_left3A_690 = arith.constant 11 : i32
    %shift_left3A_691 = vector.broadcast %shift_left3A_690 : i32 to vector<16xi32>
    %shift_left3A_692 = arith.shli %shift_right_arithmetic3A_689, %shift_left3A_691 : vector<16xi32>
    %and3A_693 = arith.constant 511 : i32
    %and3A_694 = vector.broadcast %and3A_693 : i32 to vector<16xi32>
    %and3A_695 = arith.andi %get3A_686, %and3A_694 : vector<16xi32>
    %shift_left3A_696 = arith.constant 2 : i32
    %shift_left3A_697 = vector.broadcast %shift_left3A_696 : i32 to vector<16xi32>
    %shift_left3A_698 = arith.shli %and3A_695, %shift_left3A_697 : vector<16xi32>
    %shift_right_arithmetic3A_699 = arith.constant 9 : i32
    %shift_right_arithmetic3A_700 = vector.broadcast %shift_right_arithmetic3A_699 : i32 to vector<16xi32>
    %shift_right_arithmetic3A_701 = arith.shrsi %get3A_686, %shift_right_arithmetic3A_700 : vector<16xi32>
    %and3A_702 = arith.constant 3 : i32
    %and3A_703 = vector.broadcast %and3A_702 : i32 to vector<16xi32>
    %and3A_704 = arith.andi %shift_right_arithmetic3A_701, %and3A_703 : vector<16xi32>
    %add3A_705 = arith.addi %shift_left3A_692, %shift_left3A_698 : vector<16xi32>
    %add3A_706 = arith.addi %add3A_705, %and3A_704 : vector<16xi32>
    %swap3A_707 = arith.constant 2 : i32
    %swap3A_708 = arith.index_cast %swap3A_707 : i32 to index
    %swap3A_709 = arith.constant 96 : index
    %swap3A_710 = tpu.vector_load %arg6[%swap3A_708, %swap3A_709] {strides = array<i32>} : memref<4x128xi32, #tpu.memory_space<vmem>>, vector<1x16xi32>,
    %swap3A_711 = vector.shape_cast %swap3A_710 : vector<1x16xi32> to vector<16xi32>
    %swap3A_712 = vector.shape_cast %add3A_706 : vector<16xi32> to vector<1x16xi32>
    tpu.vector_store %arg6[%swap3A_708, %swap3A_709], %swap3A_712 {strides = array<i32>} : memref<4x128xi32, #tpu.memory_space<vmem>>, vector<1x16xi32>,
    %get3A_713 = arith.constant 2 : i32
    %get3A_714 = arith.index_cast %get3A_713 : i32 to index
    %get3A_715 = arith.constant 112 : index
    %get3A_716 = tpu.vector_load %arg5[%get3A_714, %get3A_715] {strides = array<i32>} : memref<4x128xi32, #tpu.memory_space<vmem>>, vector<1x16xi32>,
    %get3A_717 = vector.shape_cast %get3A_716 : vector<1x16xi32> to vector<16xi32>
    %shift_right_arithmetic3A_718 = arith.constant 11 : i32
    %shift_right_arithmetic3A_719 = vector.broadcast %shift_right_arithmetic3A_718 : i32 to vector<16xi32>
    %shift_right_arithmetic3A_720 = arith.shrsi %get3A_717, %shift_right_arithmetic3A_719 : vector<16xi32>
    %shift_left3A_721 = arith.constant 11 : i32
    %shift_left3A_722 = vector.broadcast %shift_left3A_721 : i32 to vector<16xi32>
    %shift_left3A_723 = arith.shli %shift_right_arithmetic3A_720, %shift_left3A_722 : vector<16xi32>
    %and3A_724 = arith.constant 511 : i32
    %and3A_725 = vector.broadcast %and3A_724 : i32 to vector<16xi32>
    %and3A_726 = arith.andi %get3A_717, %and3A_725 : vector<16xi32>
    %shift_left3A_727 = arith.constant 2 : i32
    %shift_left3A_728 = vector.broadcast %shift_left3A_727 : i32 to vector<16xi32>
    %shift_left3A_729 = arith.shli %and3A_726, %shift_left3A_728 : vector<16xi32>
    %shift_right_arithmetic3A_730 = arith.constant 9 : i32
    %shift_right_arithmetic3A_731 = vector.broadcast %shift_right_arithmetic3A_730 : i32 to vector<16xi32>
    %shift_right_arithmetic3A_732 = arith.shrsi %get3A_717, %shift_right_arithmetic3A_731 : vector<16xi32>
    %and3A_733 = arith.constant 3 : i32
    %and3A_734 = vector.broadcast %and3A_733 : i32 to vector<16xi32>
    %and3A_735 = arith.andi %shift_right_arithmetic3A_732, %and3A_734 : vector<16xi32>
    %add3A_736 = arith.addi %shift_left3A_723, %shift_left3A_729 : vector<16xi32>
    %add3A_737 = arith.addi %add3A_736, %and3A_735 : vector<16xi32>
    %swap3A_738 = arith.constant 2 : i32
    %swap3A_739 = arith.index_cast %swap3A_738 : i32 to index
    %swap3A_740 = arith.constant 112 : index
    %swap3A_741 = tpu.vector_load %arg6[%swap3A_739, %swap3A_740] {strides = array<i32>} : memref<4x128xi32, #tpu.memory_space<vmem>>, vector<1x16xi32>,
    %swap3A_742 = vector.shape_cast %swap3A_741 : vector<1x16xi32> to vector<16xi32>
    %swap3A_743 = vector.shape_cast %add3A_737 : vector<16xi32> to vector<1x16xi32>
    tpu.vector_store %arg6[%swap3A_739, %swap3A_740], %swap3A_743 {strides = array<i32>} : memref<4x128xi32, #tpu.memory_space<vmem>>, vector<1x16xi32>,
    %get3A_744 = arith.constant 3 : i32
    %get3A_745 = arith.index_cast %get3A_744 : i32 to index
    %get3A_746 = arith.constant 0 : index
    %get3A_747 = tpu.vector_load %arg5[%get3A_745, %get3A_746] {strides = array<i32>} : memref<4x128xi32, #tpu.memory_space<vmem>>, vector<1x16xi32>,
    %get3A_748 = vector.shape_cast %get3A_747 : vector<1x16xi32> to vector<16xi32>
    %shift_right_arithmetic3A_749 = arith.constant 11 : i32
    %shift_right_arithmetic3A_750 = vector.broadcast %shift_right_arithmetic3A_749 : i32 to vector<16xi32>
    %shift_right_arithmetic3A_751 = arith.shrsi %get3A_748, %shift_right_arithmetic3A_750 : vector<16xi32>
    %shift_left3A_752 = arith.constant 11 : i32
    %shift_left3A_753 = vector.broadcast %shift_left3A_752 : i32 to vector<16xi32>
    %shift_left3A_754 = arith.shli %shift_right_arithmetic3A_751, %shift_left3A_753 : vector<16xi32>
    %and3A_755 = arith.constant 511 : i32
    %and3A_756 = vector.broadcast %and3A_755 : i32 to vector<16xi32>
    %and3A_757 = arith.andi %get3A_748, %and3A_756 : vector<16xi32>
    %shift_left3A_758 = arith.constant 2 : i32
    %shift_left3A_759 = vector.broadcast %shift_left3A_758 : i32 to vector<16xi32>
    %shift_left3A_760 = arith.shli %and3A_757, %shift_left3A_759 : vector<16xi32>
    %shift_right_arithmetic3A_761 = arith.constant 9 : i32
    %shift_right_arithmetic3A_762 = vector.broadcast %shift_right_arithmetic3A_761 : i32 to vector<16xi32>
    %shift_right_arithmetic3A_763 = arith.shrsi %get3A_748, %shift_right_arithmetic3A_762 : vector<16xi32>
    %and3A_764 = arith.constant 3 : i32
    %and3A_765 = vector.broadcast %and3A_764 : i32 to vector<16xi32>
    %and3A_766 = arith.andi %shift_right_arithmetic3A_763, %and3A_765 : vector<16xi32>
    %add3A_767 = arith.addi %shift_left3A_754, %shift_left3A_760 : vector<16xi32>
    %add3A_768 = arith.addi %add3A_767, %and3A_766 : vector<16xi32>
    %swap3A_769 = arith.constant 3 : i32
    %swap3A_770 = arith.index_cast %swap3A_769 : i32 to index
    %swap3A_771 = arith.constant 0 : index
    %swap3A_772 = tpu.vector_load %arg6[%swap3A_770, %swap3A_771] {strides = array<i32>} : memref<4x128xi32, #tpu.memory_space<vmem>>, vector<1x16xi32>,
    %swap3A_773 = vector.shape_cast %swap3A_772 : vector<1x16xi32> to vector<16xi32>
    %swap3A_774 = vector.shape_cast %add3A_768 : vector<16xi32> to vector<1x16xi32>
    tpu.vector_store %arg6[%swap3A_770, %swap3A_771], %swap3A_774 {strides = array<i32>} : memref<4x128xi32, #tpu.memory_space<vmem>>, vector<1x16xi32>,
    %get3A_775 = arith.constant 3 : i32
    %get3A_776 = arith.index_cast %get3A_775 : i32 to index
    %get3A_777 = arith.constant 16 : index
    %get3A_778 = tpu.vector_load %arg5[%get3A_776, %get3A_777] {strides = array<i32>} : memref<4x128xi32, #tpu.memory_space<vmem>>, vector<1x16xi32>,
    %get3A_779 = vector.shape_cast %get3A_778 : vector<1x16xi32> to vector<16xi32>
    %shift_right_arithmetic3A_780 = arith.constant 11 : i32
    %shift_right_arithmetic3A_781 = vector.broadcast %shift_right_arithmetic3A_780 : i32 to vector<16xi32>
    %shift_right_arithmetic3A_782 = arith.shrsi %get3A_779, %shift_right_arithmetic3A_781 : vector<16xi32>
    %shift_left3A_783 = arith.constant 11 : i32
    %shift_left3A_784 = vector.broadcast %shift_left3A_783 : i32 to vector<16xi32>
    %shift_left3A_785 = arith.shli %shift_right_arithmetic3A_782, %shift_left3A_784 : vector<16xi32>
    %and3A_786 = arith.constant 511 : i32
    %and3A_787 = vector.broadcast %and3A_786 : i32 to vector<16xi32>
    %and3A_788 = arith.andi %get3A_779, %and3A_787 : vector<16xi32>
    %shift_left3A_789 = arith.constant 2 : i32
    %shift_left3A_790 = vector.broadcast %shift_left3A_789 : i32 to vector<16xi32>
    %shift_left3A_791 = arith.shli %and3A_788, %shift_left3A_790 : vector<16xi32>
    %shift_right_arithmetic3A_792 = arith.constant 9 : i32
    %shift_right_arithmetic3A_793 = vector.broadcast %shift_right_arithmetic3A_792 : i32 to vector<16xi32>
    %shift_right_arithmetic3A_794 = arith.shrsi %get3A_779, %shift_right_arithmetic3A_793 : vector<16xi32>
    %and3A_795 = arith.constant 3 : i32
    %and3A_796 = vector.broadcast %and3A_795 : i32 to vector<16xi32>
    %and3A_797 = arith.andi %shift_right_arithmetic3A_794, %and3A_796 : vector<16xi32>
    %add3A_798 = arith.addi %shift_left3A_785, %shift_left3A_791 : vector<16xi32>
    %add3A_799 = arith.addi %add3A_798, %and3A_797 : vector<16xi32>
    %swap3A_800 = arith.constant 3 : i32
    %swap3A_801 = arith.index_cast %swap3A_800 : i32 to index
    %swap3A_802 = arith.constant 16 : index
    %swap3A_803 = tpu.vector_load %arg6[%swap3A_801, %swap3A_802] {strides = array<i32>} : memref<4x128xi32, #tpu.memory_space<vmem>>, vector<1x16xi32>,
    %swap3A_804 = vector.shape_cast %swap3A_803 : vector<1x16xi32> to vector<16xi32>
    %swap3A_805 = vector.shape_cast %add3A_799 : vector<16xi32> to vector<1x16xi32>
    tpu.vector_store %arg6[%swap3A_801, %swap3A_802], %swap3A_805 {strides = array<i32>} : memref<4x128xi32, #tpu.memory_space<vmem>>, vector<1x16xi32>,
    %get3A_806 = arith.constant 3 : i32
    %get3A_807 = arith.index_cast %get3A_806 : i32 to index
    %get3A_808 = arith.constant 32 : index
    %get3A_809 = tpu.vector_load %arg5[%get3A_807, %get3A_808] {strides = array<i32>} : memref<4x128xi32, #tpu.memory_space<vmem>>, vector<1x16xi32>,
    %get3A_810 = vector.shape_cast %get3A_809 : vector<1x16xi32> to vector<16xi32>
    %shift_right_arithmetic3A_811 = arith.constant 11 : i32
    %shift_right_arithmetic3A_812 = vector.broadcast %shift_right_arithmetic3A_811 : i32 to vector<16xi32>
    %shift_right_arithmetic3A_813 = arith.shrsi %get3A_810, %shift_right_arithmetic3A_812 : vector<16xi32>
    %shift_left3A_814 = arith.constant 11 : i32
    %shift_left3A_815 = vector.broadcast %shift_left3A_814 : i32 to vector<16xi32>
    %shift_left3A_816 = arith.shli %shift_right_arithmetic3A_813, %shift_left3A_815 : vector<16xi32>
    %and3A_817 = arith.constant 511 : i32
    %and3A_818 = vector.broadcast %and3A_817 : i32 to vector<16xi32>
    %and3A_819 = arith.andi %get3A_810, %and3A_818 : vector<16xi32>
    %shift_left3A_820 = arith.constant 2 : i32
    %shift_left3A_821 = vector.broadcast %shift_left3A_820 : i32 to vector<16xi32>
    %shift_left3A_822 = arith.shli %and3A_819, %shift_left3A_821 : vector<16xi32>
    %shift_right_arithmetic3A_823 = arith.constant 9 : i32
    %shift_right_arithmetic3A_824 = vector.broadcast %shift_right_arithmetic3A_823 : i32 to vector<16xi32>
    %shift_right_arithmetic3A_825 = arith.shrsi %get3A_810, %shift_right_arithmetic3A_824 : vector<16xi32>
    %and3A_826 = arith.constant 3 : i32
    %and3A_827 = vector.broadcast %and3A_826 : i32 to vector<16xi32>
    %and3A_828 = arith.andi %shift_right_arithmetic3A_825, %and3A_827 : vector<16xi32>
    %add3A_829 = arith.addi %shift_left3A_816, %shift_left3A_822 : vector<16xi32>
    %add3A_830 = arith.addi %add3A_829, %and3A_828 : vector<16xi32>
    %swap3A_831 = arith.constant 3 : i32
    %swap3A_832 = arith.index_cast %swap3A_831 : i32 to index
    %swap3A_833 = arith.constant 32 : index
    %swap3A_834 = tpu.vector_load %arg6[%swap3A_832, %swap3A_833] {strides = array<i32>} : memref<4x128xi32, #tpu.memory_space<vmem>>, vector<1x16xi32>,
    %swap3A_835 = vector.shape_cast %swap3A_834 : vector<1x16xi32> to vector<16xi32>
    %swap3A_836 = vector.shape_cast %add3A_830 : vector<16xi32> to vector<1x16xi32>
    tpu.vector_store %arg6[%swap3A_832, %swap3A_833], %swap3A_836 {strides = array<i32>} : memref<4x128xi32, #tpu.memory_space<vmem>>, vector<1x16xi32>,
    %get3A_837 = arith.constant 3 : i32
    %get3A_838 = arith.index_cast %get3A_837 : i32 to index
    %get3A_839 = arith.constant 48 : index
    %get3A_840 = tpu.vector_load %arg5[%get3A_838, %get3A_839] {strides = array<i32>} : memref<4x128xi32, #tpu.memory_space<vmem>>, vector<1x16xi32>,
    %get3A_841 = vector.shape_cast %get3A_840 : vector<1x16xi32> to vector<16xi32>
    %shift_right_arithmetic3A_842 = arith.constant 11 : i32
    %shift_right_arithmetic3A_843 = vector.broadcast %shift_right_arithmetic3A_842 : i32 to vector<16xi32>
    %shift_right_arithmetic3A_844 = arith.shrsi %get3A_841, %shift_right_arithmetic3A_843 : vector<16xi32>
    %shift_left3A_845 = arith.constant 11 : i32
    %shift_left3A_846 = vector.broadcast %shift_left3A_845 : i32 to vector<16xi32>
    %shift_left3A_847 = arith.shli %shift_right_arithmetic3A_844, %shift_left3A_846 : vector<16xi32>
    %and3A_848 = arith.constant 511 : i32
    %and3A_849 = vector.broadcast %and3A_848 : i32 to vector<16xi32>
    %and3A_850 = arith.andi %get3A_841, %and3A_849 : vector<16xi32>
    %shift_left3A_851 = arith.constant 2 : i32
    %shift_left3A_852 = vector.broadcast %shift_left3A_851 : i32 to vector<16xi32>
    %shift_left3A_853 = arith.shli %and3A_850, %shift_left3A_852 : vector<16xi32>
    %shift_right_arithmetic3A_854 = arith.constant 9 : i32
    %shift_right_arithmetic3A_855 = vector.broadcast %shift_right_arithmetic3A_854 : i32 to vector<16xi32>
    %shift_right_arithmetic3A_856 = arith.shrsi %get3A_841, %shift_right_arithmetic3A_855 : vector<16xi32>
    %and3A_857 = arith.constant 3 : i32
    %and3A_858 = vector.broadcast %and3A_857 : i32 to vector<16xi32>
    %and3A_859 = arith.andi %shift_right_arithmetic3A_856, %and3A_858 : vector<16xi32>
    %add3A_860 = arith.addi %shift_left3A_847, %shift_left3A_853 : vector<16xi32>
    %add3A_861 = arith.addi %add3A_860, %and3A_859 : vector<16xi32>
    %swap3A_862 = arith.constant 3 : i32
    %swap3A_863 = arith.index_cast %swap3A_862 : i32 to index
    %swap3A_864 = arith.constant 48 : index
    %swap3A_865 = tpu.vector_load %arg6[%swap3A_863, %swap3A_864] {strides = array<i32>} : memref<4x128xi32, #tpu.memory_space<vmem>>, vector<1x16xi32>,
    %swap3A_866 = vector.shape_cast %swap3A_865 : vector<1x16xi32> to vector<16xi32>
    %swap3A_867 = vector.shape_cast %add3A_861 : vector<16xi32> to vector<1x16xi32>
    tpu.vector_store %arg6[%swap3A_863, %swap3A_864], %swap3A_867 {strides = array<i32>} : memref<4x128xi32, #tpu.memory_space<vmem>>, vector<1x16xi32>,
    %get3A_868 = arith.constant 3 : i32
    %get3A_869 = arith.index_cast %get3A_868 : i32 to index
    %get3A_870 = arith.constant 64 : index
    %get3A_871 = tpu.vector_load %arg5[%get3A_869, %get3A_870] {strides = array<i32>} : memref<4x128xi32, #tpu.memory_space<vmem>>, vector<1x16xi32>,
    %get3A_872 = vector.shape_cast %get3A_871 : vector<1x16xi32> to vector<16xi32>
    %shift_right_arithmetic3A_873 = arith.constant 11 : i32
    %shift_right_arithmetic3A_874 = vector.broadcast %shift_right_arithmetic3A_873 : i32 to vector<16xi32>
    %shift_right_arithmetic3A_875 = arith.shrsi %get3A_872, %shift_right_arithmetic3A_874 : vector<16xi32>
    %shift_left3A_876 = arith.constant 11 : i32
    %shift_left3A_877 = vector.broadcast %shift_left3A_876 : i32 to vector<16xi32>
    %shift_left3A_878 = arith.shli %shift_right_arithmetic3A_875, %shift_left3A_877 : vector<16xi32>
    %and3A_879 = arith.constant 511 : i32
    %and3A_880 = vector.broadcast %and3A_879 : i32 to vector<16xi32>
    %and3A_881 = arith.andi %get3A_872, %and3A_880 : vector<16xi32>
    %shift_left3A_882 = arith.constant 2 : i32
    %shift_left3A_883 = vector.broadcast %shift_left3A_882 : i32 to vector<16xi32>
    %shift_left3A_884 = arith.shli %and3A_881, %shift_left3A_883 : vector<16xi32>
    %shift_right_arithmetic3A_885 = arith.constant 9 : i32
    %shift_right_arithmetic3A_886 = vector.broadcast %shift_right_arithmetic3A_885 : i32 to vector<16xi32>
    %shift_right_arithmetic3A_887 = arith.shrsi %get3A_872, %shift_right_arithmetic3A_886 : vector<16xi32>
    %and3A_888 = arith.constant 3 : i32
    %and3A_889 = vector.broadcast %and3A_888 : i32 to vector<16xi32>
    %and3A_890 = arith.andi %shift_right_arithmetic3A_887, %and3A_889 : vector<16xi32>
    %add3A_891 = arith.addi %shift_left3A_878, %shift_left3A_884 : vector<16xi32>
    %add3A_892 = arith.addi %add3A_891, %and3A_890 : vector<16xi32>
    %swap3A_893 = arith.constant 3 : i32
    %swap3A_894 = arith.index_cast %swap3A_893 : i32 to index
    %swap3A_895 = arith.constant 64 : index
    %swap3A_896 = tpu.vector_load %arg6[%swap3A_894, %swap3A_895] {strides = array<i32>} : memref<4x128xi32, #tpu.memory_space<vmem>>, vector<1x16xi32>,
    %swap3A_897 = vector.shape_cast %swap3A_896 : vector<1x16xi32> to vector<16xi32>
    %swap3A_898 = vector.shape_cast %add3A_892 : vector<16xi32> to vector<1x16xi32>
    tpu.vector_store %arg6[%swap3A_894, %swap3A_895], %swap3A_898 {strides = array<i32>} : memref<4x128xi32, #tpu.memory_space<vmem>>, vector<1x16xi32>,
    %get3A_899 = arith.constant 3 : i32
    %get3A_900 = arith.index_cast %get3A_899 : i32 to index
    %get3A_901 = arith.constant 80 : index
    %get3A_902 = tpu.vector_load %arg5[%get3A_900, %get3A_901] {strides = array<i32>} : memref<4x128xi32, #tpu.memory_space<vmem>>, vector<1x16xi32>,
    %get3A_903 = vector.shape_cast %get3A_902 : vector<1x16xi32> to vector<16xi32>
    %shift_right_arithmetic3A_904 = arith.constant 11 : i32
    %shift_right_arithmetic3A_905 = vector.broadcast %shift_right_arithmetic3A_904 : i32 to vector<16xi32>
    %shift_right_arithmetic3A_906 = arith.shrsi %get3A_903, %shift_right_arithmetic3A_905 : vector<16xi32>
    %shift_left3A_907 = arith.constant 11 : i32
    %shift_left3A_908 = vector.broadcast %shift_left3A_907 : i32 to vector<16xi32>
    %shift_left3A_909 = arith.shli %shift_right_arithmetic3A_906, %shift_left3A_908 : vector<16xi32>
    %and3A_910 = arith.constant 511 : i32
    %and3A_911 = vector.broadcast %and3A_910 : i32 to vector<16xi32>
    %and3A_912 = arith.andi %get3A_903, %and3A_911 : vector<16xi32>
    %shift_left3A_913 = arith.constant 2 : i32
    %shift_left3A_914 = vector.broadcast %shift_left3A_913 : i32 to vector<16xi32>
    %shift_left3A_915 = arith.shli %and3A_912, %shift_left3A_914 : vector<16xi32>
    %shift_right_arithmetic3A_916 = arith.constant 9 : i32
    %shift_right_arithmetic3A_917 = vector.broadcast %shift_right_arithmetic3A_916 : i32 to vector<16xi32>
    %shift_right_arithmetic3A_918 = arith.shrsi %get3A_903, %shift_right_arithmetic3A_917 : vector<16xi32>
    %and3A_919 = arith.constant 3 : i32
    %and3A_920 = vector.broadcast %and3A_919 : i32 to vector<16xi32>
    %and3A_921 = arith.andi %shift_right_arithmetic3A_918, %and3A_920 : vector<16xi32>
    %add3A_922 = arith.addi %shift_left3A_909, %shift_left3A_915 : vector<16xi32>
    %add3A_923 = arith.addi %add3A_922, %and3A_921 : vector<16xi32>
    %swap3A_924 = arith.constant 3 : i32
    %swap3A_925 = arith.index_cast %swap3A_924 : i32 to index
    %swap3A_926 = arith.constant 80 : index
    %swap3A_927 = tpu.vector_load %arg6[%swap3A_925, %swap3A_926] {strides = array<i32>} : memref<4x128xi32, #tpu.memory_space<vmem>>, vector<1x16xi32>,
    %swap3A_928 = vector.shape_cast %swap3A_927 : vector<1x16xi32> to vector<16xi32>
    %swap3A_929 = vector.shape_cast %add3A_923 : vector<16xi32> to vector<1x16xi32>
    tpu.vector_store %arg6[%swap3A_925, %swap3A_926], %swap3A_929 {strides = array<i32>} : memref<4x128xi32, #tpu.memory_space<vmem>>, vector<1x16xi32>,
    %get3A_930 = arith.constant 3 : i32
    %get3A_931 = arith.index_cast %get3A_930 : i32 to index
    %get3A_932 = arith.constant 96 : index
    %get3A_933 = tpu.vector_load %arg5[%get3A_931, %get3A_932] {strides = array<i32>} : memref<4x128xi32, #tpu.memory_space<vmem>>, vector<1x16xi32>,
    %get3A_934 = vector.shape_cast %get3A_933 : vector<1x16xi32> to vector<16xi32>
    %shift_right_arithmetic3A_935 = arith.constant 11 : i32
    %shift_right_arithmetic3A_936 = vector.broadcast %shift_right_arithmetic3A_935 : i32 to vector<16xi32>
    %shift_right_arithmetic3A_937 = arith.shrsi %get3A_934, %shift_right_arithmetic3A_936 : vector<16xi32>
    %shift_left3A_938 = arith.constant 11 : i32
    %shift_left3A_939 = vector.broadcast %shift_left3A_938 : i32 to vector<16xi32>
    %shift_left3A_940 = arith.shli %shift_right_arithmetic3A_937, %shift_left3A_939 : vector<16xi32>
    %and3A_941 = arith.constant 511 : i32
    %and3A_942 = vector.broadcast %and3A_941 : i32 to vector<16xi32>
    %and3A_943 = arith.andi %get3A_934, %and3A_942 : vector<16xi32>
    %shift_left3A_944 = arith.constant 2 : i32
    %shift_left3A_945 = vector.broadcast %shift_left3A_944 : i32 to vector<16xi32>
    %shift_left3A_946 = arith.shli %and3A_943, %shift_left3A_945 : vector<16xi32>
    %shift_right_arithmetic3A_947 = arith.constant 9 : i32
    %shift_right_arithmetic3A_948 = vector.broadcast %shift_right_arithmetic3A_947 : i32 to vector<16xi32>
    %shift_right_arithmetic3A_949 = arith.shrsi %get3A_934, %shift_right_arithmetic3A_948 : vector<16xi32>
    %and3A_950 = arith.constant 3 : i32
    %and3A_951 = vector.broadcast %and3A_950 : i32 to vector<16xi32>
    %and3A_952 = arith.andi %shift_right_arithmetic3A_949, %and3A_951 : vector<16xi32>
    %add3A_953 = arith.addi %shift_left3A_940, %shift_left3A_946 : vector<16xi32>
    %add3A_954 = arith.addi %add3A_953, %and3A_952 : vector<16xi32>
    %swap3A_955 = arith.constant 3 : i32
    %swap3A_956 = arith.index_cast %swap3A_955 : i32 to index
    %swap3A_957 = arith.constant 96 : index
    %swap3A_958 = tpu.vector_load %arg6[%swap3A_956, %swap3A_957] {strides = array<i32>} : memref<4x128xi32, #tpu.memory_space<vmem>>, vector<1x16xi32>,
    %swap3A_959 = vector.shape_cast %swap3A_958 : vector<1x16xi32> to vector<16xi32>
    %swap3A_960 = vector.shape_cast %add3A_954 : vector<16xi32> to vector<1x16xi32>
    tpu.vector_store %arg6[%swap3A_956, %swap3A_957], %swap3A_960 {strides = array<i32>} : memref<4x128xi32, #tpu.memory_space<vmem>>, vector<1x16xi32>,
    %get3A_961 = arith.constant 3 : i32
    %get3A_962 = arith.index_cast %get3A_961 : i32 to index
    %get3A_963 = arith.constant 112 : index
    %get3A_964 = tpu.vector_load %arg5[%get3A_962, %get3A_963] {strides = array<i32>} : memref<4x128xi32, #tpu.memory_space<vmem>>, vector<1x16xi32>,
    %get3A_965 = vector.shape_cast %get3A_964 : vector<1x16xi32> to vector<16xi32>
    %shift_right_arithmetic3A_966 = arith.constant 11 : i32
    %shift_right_arithmetic3A_967 = vector.broadcast %shift_right_arithmetic3A_966 : i32 to vector<16xi32>
    %shift_right_arithmetic3A_968 = arith.shrsi %get3A_965, %shift_right_arithmetic3A_967 : vector<16xi32>
    %shift_left3A_969 = arith.constant 11 : i32
    %shift_left3A_970 = vector.broadcast %shift_left3A_969 : i32 to vector<16xi32>
    %shift_left3A_971 = arith.shli %shift_right_arithmetic3A_968, %shift_left3A_970 : vector<16xi32>
    %and3A_972 = arith.constant 511 : i32
    %and3A_973 = vector.broadcast %and3A_972 : i32 to vector<16xi32>
    %and3A_974 = arith.andi %get3A_965, %and3A_973 : vector<16xi32>
    %shift_left3A_975 = arith.constant 2 : i32
    %shift_left3A_976 = vector.broadcast %shift_left3A_975 : i32 to vector<16xi32>
    %shift_left3A_977 = arith.shli %and3A_974, %shift_left3A_976 : vector<16xi32>
    %shift_right_arithmetic3A_978 = arith.constant 9 : i32
    %shift_right_arithmetic3A_979 = vector.broadcast %shift_right_arithmetic3A_978 : i32 to vector<16xi32>
    %shift_right_arithmetic3A_980 = arith.shrsi %get3A_965, %shift_right_arithmetic3A_979 : vector<16xi32>
    %and3A_981 = arith.constant 3 : i32
    %and3A_982 = vector.broadcast %and3A_981 : i32 to vector<16xi32>
    %and3A_983 = arith.andi %shift_right_arithmetic3A_980, %and3A_982 : vector<16xi32>
    %add3A_984 = arith.addi %shift_left3A_971, %shift_left3A_977 : vector<16xi32>
    %add3A_985 = arith.addi %add3A_984, %and3A_983 : vector<16xi32>
    %swap3A_986 = arith.constant 3 : i32
    %swap3A_987 = arith.index_cast %swap3A_986 : i32 to index
    %swap3A_988 = arith.constant 112 : index
    %swap3A_989 = tpu.vector_load %arg6[%swap3A_987, %swap3A_988] {strides = array<i32>} : memref<4x128xi32, #tpu.memory_space<vmem>>, vector<1x16xi32>,
    %swap3A_990 = vector.shape_cast %swap3A_989 : vector<1x16xi32> to vector<16xi32>
    %swap3A_991 = vector.shape_cast %add3A_985 : vector<16xi32> to vector<1x16xi32>
    tpu.vector_store %arg6[%swap3A_987, %swap3A_988], %swap3A_991 {strides = array<i32>} : memref<4x128xi32, #tpu.memory_space<vmem>>, vector<1x16xi32>,
    %dma_start3A = arith.constant 0 : i32
    %dma_start3A_992 = arith.constant 0 : i32
    %dma_start3A_993 = arith.constant 0 : i32
    %dma_start3A_994 = tpu.memref_slice %arg7[%dma_start3A_992, %dma_start3A_993] : memref<512x32xf32, #tpu.memory_space<vmem>> -> memref<128x32xf32, #tpu.memory_space<vmem>>
    %dma_start3A_995 = arith.constant 0 : i32
    %dma_start3A_996 = tpu.memref_slice %arg6[%dma_start3A, %dma_start3A_995] : memref<4x128xi32, #tpu.memory_space<vmem>> -> memref<1x128xi32, #tpu.memory_space<vmem>>
    %dma_start3A_997 = tpu.memref_squeeze %dma_start3A_996 : memref<1x128xi32, #tpu.memory_space<vmem>> -> memref<128xi32, #tpu.memory_space<vmem>>
    %dma_start3A_998 = arith.constant 0 : i32
    %dma_start3A_999 = arith.constant 0 : i32
    %dma_start3A_1000 = tpu.memref_slice %arg3[%dma_start3A_998, %dma_start3A_999] : memref<200704x32xf32, #tpu.memory_space<hbm>> -> memref<200704x32xf32, #tpu.memory_space<hbm>>
    tpu.enqueue_indirect_dma source(%dma_start3A_1000 : memref<200704x32xf32, #tpu.memory_space<hbm>>) target(%dma_start3A_994 : memref<128x32xf32, #tpu.memory_space<vmem>>) offsets(%dma_start3A_997 : memref<128xi32, #tpu.memory_space<vmem>>) semaphore(%arg8 : memref<!tpu.dma_semaphore, #tpu.memory_space<semaphore_mem>>)
    %dma_start3A_1001 = arith.constant 1 : i32
    %dma_start3A_1002 = arith.constant 128 : i32
    %dma_start3A_1003 = arith.constant 0 : i32
    %dma_start3A_1004 = tpu.memref_slice %arg7[%dma_start3A_1002, %dma_start3A_1003] : memref<512x32xf32, #tpu.memory_space<vmem>> -> memref<128x32xf32, #tpu.memory_space<vmem>>
    %dma_start3A_1005 = arith.constant 0 : i32
    %dma_start3A_1006 = tpu.memref_slice %arg6[%dma_start3A_1001, %dma_start3A_1005] : memref<4x128xi32, #tpu.memory_space<vmem>> -> memref<1x128xi32, #tpu.memory_space<vmem>>
    %dma_start3A_1007 = tpu.memref_squeeze %dma_start3A_1006 : memref<1x128xi32, #tpu.memory_space<vmem>> -> memref<128xi32, #tpu.memory_space<vmem>>
    %dma_start3A_1008 = arith.constant 0 : i32
    %dma_start3A_1009 = arith.constant 0 : i32
    %dma_start3A_1010 = tpu.memref_slice %arg3[%dma_start3A_1008, %dma_start3A_1009] : memref<200704x32xf32, #tpu.memory_space<hbm>> -> memref<200704x32xf32, #tpu.memory_space<hbm>>
    tpu.enqueue_indirect_dma source(%dma_start3A_1010 : memref<200704x32xf32, #tpu.memory_space<hbm>>) target(%dma_start3A_1004 : memref<128x32xf32, #tpu.memory_space<vmem>>) offsets(%dma_start3A_1007 : memref<128xi32, #tpu.memory_space<vmem>>) semaphore(%arg8 : memref<!tpu.dma_semaphore, #tpu.memory_space<semaphore_mem>>)
    %dma_start3A_1011 = arith.constant 2 : i32
    %dma_start3A_1012 = arith.constant 256 : i32
    %dma_start3A_1013 = arith.constant 0 : i32
    %dma_start3A_1014 = tpu.memref_slice %arg7[%dma_start3A_1012, %dma_start3A_1013] : memref<512x32xf32, #tpu.memory_space<vmem>> -> memref<128x32xf32, #tpu.memory_space<vmem>>
    %dma_start3A_1015 = arith.constant 0 : i32
    %dma_start3A_1016 = tpu.memref_slice %arg6[%dma_start3A_1011, %dma_start3A_1015] : memref<4x128xi32, #tpu.memory_space<vmem>> -> memref<1x128xi32, #tpu.memory_space<vmem>>
    %dma_start3A_1017 = tpu.memref_squeeze %dma_start3A_1016 : memref<1x128xi32, #tpu.memory_space<vmem>> -> memref<128xi32, #tpu.memory_space<vmem>>
    %dma_start3A_1018 = arith.constant 0 : i32
    %dma_start3A_1019 = arith.constant 0 : i32
    %dma_start3A_1020 = tpu.memref_slice %arg3[%dma_start3A_1018, %dma_start3A_1019] : memref<200704x32xf32, #tpu.memory_space<hbm>> -> memref<200704x32xf32, #tpu.memory_space<hbm>>
    tpu.enqueue_indirect_dma source(%dma_start3A_1020 : memref<200704x32xf32, #tpu.memory_space<hbm>>) target(%dma_start3A_1014 : memref<128x32xf32, #tpu.memory_space<vmem>>) offsets(%dma_start3A_1017 : memref<128xi32, #tpu.memory_space<vmem>>) semaphore(%arg8 : memref<!tpu.dma_semaphore, #tpu.memory_space<semaphore_mem>>)
    %dma_start3A_1021 = arith.constant 3 : i32
    %dma_start3A_1022 = arith.constant 384 : i32
    %dma_start3A_1023 = arith.constant 0 : i32
    %dma_start3A_1024 = tpu.memref_slice %arg7[%dma_start3A_1022, %dma_start3A_1023] : memref<512x32xf32, #tpu.memory_space<vmem>> -> memref<128x32xf32, #tpu.memory_space<vmem>>
    %dma_start3A_1025 = arith.constant 0 : i32
    %dma_start3A_1026 = tpu.memref_slice %arg6[%dma_start3A_1021, %dma_start3A_1025] : memref<4x128xi32, #tpu.memory_space<vmem>> -> memref<1x128xi32, #tpu.memory_space<vmem>>
    %dma_start3A_1027 = tpu.memref_squeeze %dma_start3A_1026 : memref<1x128xi32, #tpu.memory_space<vmem>> -> memref<128xi32, #tpu.memory_space<vmem>>
    %dma_start3A_1028 = arith.constant 0 : i32
    %dma_start3A_1029 = arith.constant 0 : i32
    %dma_start3A_1030 = tpu.memref_slice %arg3[%dma_start3A_1028, %dma_start3A_1029] : memref<200704x32xf32, #tpu.memory_space<hbm>> -> memref<200704x32xf32, #tpu.memory_space<hbm>>
    tpu.enqueue_indirect_dma source(%dma_start3A_1030 : memref<200704x32xf32, #tpu.memory_space<hbm>>) target(%dma_start3A_1024 : memref<128x32xf32, #tpu.memory_space<vmem>>) offsets(%dma_start3A_1027 : memref<128xi32, #tpu.memory_space<vmem>>) semaphore(%arg8 : memref<!tpu.dma_semaphore, #tpu.memory_space<semaphore_mem>>)
    %dma_wait3A = arith.constant 0 : i32
    %dma_wait3A_1031 = arith.constant 0 : i32
    %dma_wait3A_1032 = arith.constant 0 : i32
    %dma_wait3A_1033 = tpu.memref_slice %arg7[%dma_wait3A_1031, %dma_wait3A_1032] : memref<512x32xf32, #tpu.memory_space<vmem>> -> memref<128x32xf32, #tpu.memory_space<vmem>>
    %dma_wait3A_1034 = arith.constant 0 : i32
    %dma_wait3A_1035 = tpu.memref_slice %arg6[%dma_wait3A, %dma_wait3A_1034] : memref<4x128xi32, #tpu.memory_space<vmem>> -> memref<1x128xi32, #tpu.memory_space<vmem>>
    %dma_wait3A_1036 = tpu.memref_squeeze %dma_wait3A_1035 : memref<1x128xi32, #tpu.memory_space<vmem>> -> memref<128xi32, #tpu.memory_space<vmem>>
    %dma_wait3A_1037 = arith.constant 0 : i32
    %dma_wait3A_1038 = arith.constant 0 : i32
    %dma_wait3A_1039 = tpu.memref_slice %arg3[%dma_wait3A_1037, %dma_wait3A_1038] : memref<200704x32xf32, #tpu.memory_space<hbm>> -> memref<200704x32xf32, #tpu.memory_space<hbm>>
    tpu.wait_indirect_dma semaphore(%arg8 : memref<!tpu.dma_semaphore, #tpu.memory_space<semaphore_mem>>) src(%dma_wait3A_1039 : memref<200704x32xf32, #tpu.memory_space<hbm>>) dst(%dma_wait3A_1033 : memref<128x32xf32, #tpu.memory_space<vmem>>)
    %dma_wait3A_1040 = arith.constant 1 : i32
    %dma_wait3A_1041 = arith.constant 128 : i32
    %dma_wait3A_1042 = arith.constant 0 : i32
    %dma_wait3A_1043 = tpu.memref_slice %arg7[%dma_wait3A_1041, %dma_wait3A_1042] : memref<512x32xf32, #tpu.memory_space<vmem>> -> memref<128x32xf32, #tpu.memory_space<vmem>>
    %dma_wait3A_1044 = arith.constant 0 : i32
    %dma_wait3A_1045 = tpu.memref_slice %arg6[%dma_wait3A_1040, %dma_wait3A_1044] : memref<4x128xi32, #tpu.memory_space<vmem>> -> memref<1x128xi32, #tpu.memory_space<vmem>>
    %dma_wait3A_1046 = tpu.memref_squeeze %dma_wait3A_1045 : memref<1x128xi32, #tpu.memory_space<vmem>> -> memref<128xi32, #tpu.memory_space<vmem>>
    %dma_wait3A_1047 = arith.constant 0 : i32
    %dma_wait3A_1048 = arith.constant 0 : i32
    %dma_wait3A_1049 = tpu.memref_slice %arg3[%dma_wait3A_1047, %dma_wait3A_1048] : memref<200704x32xf32, #tpu.memory_space<hbm>> -> memref<200704x32xf32, #tpu.memory_space<hbm>>
    tpu.wait_indirect_dma semaphore(%arg8 : memref<!tpu.dma_semaphore, #tpu.memory_space<semaphore_mem>>) src(%dma_wait3A_1049 : memref<200704x32xf32, #tpu.memory_space<hbm>>) dst(%dma_wait3A_1043 : memref<128x32xf32, #tpu.memory_space<vmem>>)
    %dma_wait3A_1050 = arith.constant 2 : i32
    %dma_wait3A_1051 = arith.constant 256 : i32
    %dma_wait3A_1052 = arith.constant 0 : i32
    %dma_wait3A_1053 = tpu.memref_slice %arg7[%dma_wait3A_1051, %dma_wait3A_1052] : memref<512x32xf32, #tpu.memory_space<vmem>> -> memref<128x32xf32, #tpu.memory_space<vmem>>
    %dma_wait3A_1054 = arith.constant 0 : i32
    %dma_wait3A_1055 = tpu.memref_slice %arg6[%dma_wait3A_1050, %dma_wait3A_1054] : memref<4x128xi32, #tpu.memory_space<vmem>> -> memref<1x128xi32, #tpu.memory_space<vmem>>
    %dma_wait3A_1056 = tpu.memref_squeeze %dma_wait3A_1055 : memref<1x128xi32, #tpu.memory_space<vmem>> -> memref<128xi32, #tpu.memory_space<vmem>>
    %dma_wait3A_1057 = arith.constant 0 : i32
    %dma_wait3A_1058 = arith.constant 0 : i32
    %dma_wait3A_1059 = tpu.memref_slice %arg3[%dma_wait3A_1057, %dma_wait3A_1058] : memref<200704x32xf32, #tpu.memory_space<hbm>> -> memref<200704x32xf32, #tpu.memory_space<hbm>>
    tpu.wait_indirect_dma semaphore(%arg8 : memref<!tpu.dma_semaphore, #tpu.memory_space<semaphore_mem>>) src(%dma_wait3A_1059 : memref<200704x32xf32, #tpu.memory_space<hbm>>) dst(%dma_wait3A_1053 : memref<128x32xf32, #tpu.memory_space<vmem>>)
    %dma_wait3A_1060 = arith.constant 3 : i32
    %dma_wait3A_1061 = arith.constant 384 : i32
    %dma_wait3A_1062 = arith.constant 0 : i32
    %dma_wait3A_1063 = tpu.memref_slice %arg7[%dma_wait3A_1061, %dma_wait3A_1062] : memref<512x32xf32, #tpu.memory_space<vmem>> -> memref<128x32xf32, #tpu.memory_space<vmem>>
    %dma_wait3A_1064 = arith.constant 0 : i32
    %dma_wait3A_1065 = tpu.memref_slice %arg6[%dma_wait3A_1060, %dma_wait3A_1064] : memref<4x128xi32, #tpu.memory_space<vmem>> -> memref<1x128xi32, #tpu.memory_space<vmem>>
    %dma_wait3A_1066 = tpu.memref_squeeze %dma_wait3A_1065 : memref<1x128xi32, #tpu.memory_space<vmem>> -> memref<128xi32, #tpu.memory_space<vmem>>
    %dma_wait3A_1067 = arith.constant 0 : i32
    %dma_wait3A_1068 = arith.constant 0 : i32
    %dma_wait3A_1069 = tpu.memref_slice %arg3[%dma_wait3A_1067, %dma_wait3A_1068] : memref<200704x32xf32, #tpu.memory_space<hbm>> -> memref<200704x32xf32, #tpu.memory_space<hbm>>
    tpu.wait_indirect_dma semaphore(%arg8 : memref<!tpu.dma_semaphore, #tpu.memory_space<semaphore_mem>>) src(%dma_wait3A_1069 : memref<200704x32xf32, #tpu.memory_space<hbm>>) dst(%dma_wait3A_1063 : memref<128x32xf32, #tpu.memory_space<vmem>>)
    "tpu.region"() ({
      %run_scoped3A = tpu.sem_alloc : memref<!tpu.dma_semaphore, #tpu.memory_space<semaphore_mem>>
      %dma_start3A_1070 = arith.constant 0 : i32
      %dma_start3A_1071 = tpu.memref_slice %arg4[%mul3A_2, %dma_start3A_1070] : memref<16384x128xf32, #tpu.memory_space<hbm>> -> memref<512x32xf32, #tpu.memory_space<hbm>>
      %dma_start3A_1072 = arith.constant 0 : i32
      %dma_start3A_1073 = tpu.memref_slice %arg4[%mul3A_2, %dma_start3A_1072] : memref<16384x128xf32, #tpu.memory_space<hbm>> -> memref<512x32xf32, #tpu.memory_space<hbm>>
      tpu.enqueue_dma source(%arg7 : memref<512x32xf32, #tpu.memory_space<vmem>>) target(%dma_start3A_1073 : memref<512x32xf32, #tpu.memory_space<hbm>>) target_semaphore(%run_scoped3A : memref<!tpu.dma_semaphore, #tpu.memory_space<semaphore_mem>>)
      %dma_wait3A_1074 = arith.constant 0 : i32
      %dma_wait3A_1075 = tpu.memref_slice %arg4[%mul3A_2, %dma_wait3A_1074] : memref<16384x128xf32, #tpu.memory_space<hbm>> -> memref<512x32xf32, #tpu.memory_space<hbm>>
      %dma_wait3A_1076 = arith.constant 0 : i32
      %dma_wait3A_1077 = tpu.memref_slice %arg4[%mul3A_2, %dma_wait3A_1076] : memref<16384x128xf32, #tpu.memory_space<hbm>> -> memref<512x32xf32, #tpu.memory_space<hbm>>
      tpu.wait_dma2 semaphore(%run_scoped3A : memref<!tpu.dma_semaphore, #tpu.memory_space<semaphore_mem>>) src(%arg7 : memref<512x32xf32, #tpu.memory_space<vmem>>) dst(%dma_wait3A_1077 : memref<512x32xf32, #tpu.memory_space<hbm>>)
      tpu.yield
    }) : () -> ()
    return
  }
}

module attributes {stable_mosaic.version = 14 : i64} {
  func.func @body(%arg0: i32, %arg1: memref<64x512xf32, #tpu.memory_space<vmem>>, %arg2: memref<64x512xf32, #tpu.memory_space<vmem>>, %arg3: memref<64x512xf32, #tpu.memory_space<vmem>>, %arg4: memref<64x512xf32, #tpu.memory_space<vmem>>, %arg5: memref<512x128xf32, #tpu.memory_space<vmem>>) attributes {dimension_semantics = [#tpu.dimension_semantics<arbitrary>], iteration_bounds = array<i64: 49>, scalar_prefetch = 0 : i64, scratch_operands = 0 : i64, tpu.core_type = #tpu.core_type<tc>, window_params = [{transform_indices = @transform_0, window_bounds = array<i64: 64, 512>}, {transform_indices = @transform_1, window_bounds = array<i64: 64, 512>}, {transform_indices = @transform_2, window_bounds = array<i64: 64, 512>}, {transform_indices = @transform_3, window_bounds = array<i64: 64, 512>}, {transform_indices = @transform_4, window_bounds = array<i64: 512, 128>}]} {
    %iota3A = tpu.iota {dimensions = array<i32: 0>} : vector<256x128xi32>
    %iota3A_0 = tpu.iota {dimensions = array<i32: 1>} : vector<256x128xi32>
    %shift_right_arithmetic3A = arith.constant 6 : i32
    %shift_right_arithmetic3A_1 = vector.broadcast %shift_right_arithmetic3A : i32 to vector<256x128xi32>
    %shift_right_arithmetic3A_2 = arith.shrsi %iota3A, %shift_right_arithmetic3A_1 : vector<256x128xi32>
    %shift_right_arithmetic3A_3 = arith.constant 5 : i32
    %shift_right_arithmetic3A_4 = vector.broadcast %shift_right_arithmetic3A_3 : i32 to vector<256x128xi32>
    %shift_right_arithmetic3A_5 = arith.shrsi %iota3A_0, %shift_right_arithmetic3A_4 : vector<256x128xi32>
    %eq3A = arith.cmpi eq, %shift_right_arithmetic3A_2, %shift_right_arithmetic3A_5 : vector<256x128xi32>
    %and3A = arith.constant 63 : i32
    %and3A_6 = vector.broadcast %and3A : i32 to vector<256x128xi32>
    %and3A_7 = arith.andi %iota3A, %and3A_6 : vector<256x128xi32>
    %and3A_8 = arith.constant 31 : i32
    %and3A_9 = vector.broadcast %and3A_8 : i32 to vector<256x128xi32>
    %and3A_10 = arith.andi %iota3A_0, %and3A_9 : vector<256x128xi32>
    %eq3A_11 = arith.cmpi eq, %and3A_7, %and3A_10 : vector<256x128xi32>
    %and3A_12 = arith.andi %eq3A, %eq3A_11 : vector<256x128xi1>
    %convert_element_type3A = arith.extui %and3A_12 : vector<256x128xi1> to vector<256x128xi32>
    %convert_element_type3A_13 = arith.sitofp %convert_element_type3A : vector<256x128xi32> to vector<256x128xf32>
    %add3A = arith.constant 32 : i32
    %add3A_14 = vector.broadcast %add3A : i32 to vector<256x128xi32>
    %add3A_15 = arith.addi %and3A_10, %add3A_14 : vector<256x128xi32>
    %eq3A_16 = arith.cmpi eq, %and3A_7, %add3A_15 : vector<256x128xi32>
    %and3A_17 = arith.andi %eq3A, %eq3A_16 : vector<256x128xi1>
    %convert_element_type3A_18 = arith.extui %and3A_17 : vector<256x128xi1> to vector<256x128xi32>
    %convert_element_type3A_19 = arith.sitofp %convert_element_type3A_18 : vector<256x128xi32> to vector<256x128xf32>
    %get3A = arith.constant 0 : index
    %get3A_20 = arith.constant 0 : index
    %get3A_21 = vector.load %arg1[%get3A, %get3A_20] : memref<64x512xf32, #tpu.memory_space<vmem>>, vector<64x512xf32>
    %get3A_22 = arith.constant 0 : index
    %get3A_23 = arith.constant 0 : index
    %get3A_24 = vector.load %arg2[%get3A_22, %get3A_23] : memref<64x512xf32, #tpu.memory_space<vmem>>, vector<64x512xf32>
    %get3A_25 = arith.constant 0 : index
    %get3A_26 = arith.constant 0 : index
    %get3A_27 = vector.load %arg3[%get3A_25, %get3A_26] : memref<64x512xf32, #tpu.memory_space<vmem>>, vector<64x512xf32>
    %get3A_28 = arith.constant 0 : index
    %get3A_29 = arith.constant 0 : index
    %get3A_30 = vector.load %arg4[%get3A_28, %get3A_29] : memref<64x512xf32, #tpu.memory_space<vmem>>, vector<64x512xf32>
    %concatenate3A = tpu.concatenate %get3A_21, %get3A_24, %get3A_27, %get3A_30 in 0 : vector<64x512xf32>, vector<64x512xf32>, vector<64x512xf32>, vector<64x512xf32> -> vector<256x512xf32>
    %dot_general3A = arith.constant dense<0.000000e+00> : vector<512x128xf32>
    %dot_general3A_31 = tpu.matmul %concatenate3A, %convert_element_type3A_13, %dot_general3A {dimension_numbers = #tpu.dot_dimension_numbers<[0], [0], [1], [1], [0, 1, 1, 1], [], []>, transpose_lhs_hint = false} : vector<256x512xf32>, vector<256x128xf32>, vector<512x128xf32> -> vector<512x128xf32>
    %dot_general3A_32 = arith.constant dense<0.000000e+00> : vector<512x128xf32>
    %dot_general3A_33 = tpu.matmul %concatenate3A, %convert_element_type3A_19, %dot_general3A_32 {dimension_numbers = #tpu.dot_dimension_numbers<[0], [0], [1], [1], [0, 1, 1, 1], [], []>, transpose_lhs_hint = false} : vector<256x512xf32>, vector<256x128xf32>, vector<512x128xf32> -> vector<512x128xf32>
    %bitcast_convert_type3A = tpu.bitcast %dot_general3A_31 : vector<512x128xf32> -> vector<512x128xi32>
    %add3A_34 = arith.constant 32767 : i32
    %add3A_35 = vector.broadcast %add3A_34 : i32 to vector<512x128xi32>
    %add3A_36 = arith.addi %bitcast_convert_type3A, %add3A_35 : vector<512x128xi32>
    %shift_right_logical3A = arith.constant 16 : i32
    %shift_right_logical3A_37 = vector.broadcast %shift_right_logical3A : i32 to vector<512x128xi32>
    %shift_right_logical3A_38 = arith.shrui %bitcast_convert_type3A, %shift_right_logical3A_37 : vector<512x128xi32>
    %and3A_39 = arith.constant 1 : i32
    %and3A_40 = vector.broadcast %and3A_39 : i32 to vector<512x128xi32>
    %and3A_41 = arith.andi %shift_right_logical3A_38, %and3A_40 : vector<512x128xi32>
    %add3A_42 = arith.addi %add3A_36, %and3A_41 : vector<512x128xi32>
    %shift_right_logical3A_43 = arith.constant 16 : i32
    %shift_right_logical3A_44 = vector.broadcast %shift_right_logical3A_43 : i32 to vector<512x128xi32>
    %shift_right_logical3A_45 = arith.shrui %add3A_42, %shift_right_logical3A_44 : vector<512x128xi32>
    %bitcast_convert_type3A_46 = tpu.bitcast %dot_general3A_33 : vector<512x128xf32> -> vector<512x128xi32>
    %add3A_47 = arith.constant 32767 : i32
    %add3A_48 = vector.broadcast %add3A_47 : i32 to vector<512x128xi32>
    %add3A_49 = arith.addi %bitcast_convert_type3A_46, %add3A_48 : vector<512x128xi32>
    %shift_right_logical3A_50 = arith.constant 16 : i32
    %shift_right_logical3A_51 = vector.broadcast %shift_right_logical3A_50 : i32 to vector<512x128xi32>
    %shift_right_logical3A_52 = arith.shrui %bitcast_convert_type3A_46, %shift_right_logical3A_51 : vector<512x128xi32>
    %and3A_53 = arith.constant 1 : i32
    %and3A_54 = vector.broadcast %and3A_53 : i32 to vector<512x128xi32>
    %and3A_55 = arith.andi %shift_right_logical3A_52, %and3A_54 : vector<512x128xi32>
    %add3A_56 = arith.addi %add3A_49, %and3A_55 : vector<512x128xi32>
    %and3A_57 = arith.constant -65536 : i32
    %and3A_58 = vector.broadcast %and3A_57 : i32 to vector<512x128xi32>
    %and3A_59 = arith.andi %add3A_56, %and3A_58 : vector<512x128xi32>
    %or3A = arith.ori %shift_right_logical3A_45, %and3A_59 : vector<512x128xi32>
    %bitcast_convert_type3A_60 = tpu.bitcast %or3A : vector<512x128xi32> -> vector<512x128xf32>
    %swap3A = arith.constant 0 : index
    %swap3A_61 = arith.constant 0 : index
    %swap3A_62 = vector.load %arg5[%swap3A, %swap3A_61] : memref<512x128xf32, #tpu.memory_space<vmem>>, vector<512x128xf32>
    tpu.vector_store %arg5[%swap3A, %swap3A_61], %bitcast_convert_type3A_60 {strides = array<i32>} : memref<512x128xf32, #tpu.memory_space<vmem>>, vector<512x128xf32>,
    return
  }
  func.func @transform_0(%arg0: i32) -> (i32, i32) {
    %mul3A = arith.constant 4 : i32
    %mul3A_0 = arith.muli %mul3A, %arg0 : i32
    %add3A = arith.constant 0 : i32
    %add3A_1 = arith.addi %mul3A_0, %add3A : i32
    %c0_i32 = arith.constant 0 : i32
    %c0_i32_2 = arith.constant 0 : i32
    return %c0_i32, %add3A_1 : i32, i32
  }
  func.func @transform_1(%arg0: i32) -> (i32, i32) {
    %mul3A = arith.constant 4 : i32
    %mul3A_0 = arith.muli %mul3A, %arg0 : i32
    %add3A = arith.constant 1 : i32
    %add3A_1 = arith.addi %mul3A_0, %add3A : i32
    %c0_i32 = arith.constant 0 : i32
    %c0_i32_2 = arith.constant 0 : i32
    return %c0_i32, %add3A_1 : i32, i32
  }
  func.func @transform_2(%arg0: i32) -> (i32, i32) {
    %mul3A = arith.constant 4 : i32
    %mul3A_0 = arith.muli %mul3A, %arg0 : i32
    %add3A = arith.constant 2 : i32
    %add3A_1 = arith.addi %mul3A_0, %add3A : i32
    %c0_i32 = arith.constant 0 : i32
    %c0_i32_2 = arith.constant 0 : i32
    return %c0_i32, %add3A_1 : i32, i32
  }
  func.func @transform_3(%arg0: i32) -> (i32, i32) {
    %mul3A = arith.constant 4 : i32
    %mul3A_0 = arith.muli %mul3A, %arg0 : i32
    %add3A = arith.constant 3 : i32
    %add3A_1 = arith.addi %mul3A_0, %add3A : i32
    %c0_i32 = arith.constant 0 : i32
    %c0_i32_2 = arith.constant 0 : i32
    return %c0_i32, %add3A_1 : i32, i32
  }
  func.func @transform_4(%arg0: i32) -> (i32, i32) {
    %c0_i32 = arith.constant 0 : i32
    %c0_i32_0 = arith.constant 0 : i32
    return %arg0, %c0_i32 : i32, i32
  }
}

module attributes {stable_mosaic.version = 14 : i64} {
  func.func @body(%arg0: i32, %arg1: memref<2048x128xf32, #tpu.memory_space<vmem>>, %arg2: memref<64x64xf32, #tpu.memory_space<vmem>>, %arg3: memref<1x64xf32, #tpu.memory_space<vmem>>, %arg4: memref<1x64x2048xf32, #tpu.memory_space<vmem>>) attributes {dimension_semantics = [#tpu.dimension_semantics<arbitrary>], iteration_bounds = array<i64: 8>, scalar_prefetch = 0 : i64, scratch_operands = 0 : i64, tpu.core_type = #tpu.core_type<tc>, window_params = [{transform_indices = @transform_0, window_bounds = array<i64: 2048, 128>}, {pipeline_mode = #tpu.pipeline_mode<synchronous>, transform_indices = @transform_1, window_bounds = array<i64: 64, 64>}, {pipeline_mode = #tpu.pipeline_mode<synchronous>, transform_indices = @transform_2, window_bounds = array<i64: 1, 64>}, {transform_indices = @transform_3, window_bounds = array<i64: 1, 64, 2048>}]} {
    %get3A = arith.constant 0 : index
    %get3A_0 = arith.constant 0 : index
    %get3A_1 = vector.load %arg1[%get3A, %get3A_0] : memref<2048x128xf32, #tpu.memory_space<vmem>>, vector<2048x32xf32>
    %bitcast_convert_type3A = tpu.bitcast %get3A_1 : vector<2048x32xf32> -> vector<2048x32xi32>
    %shift_left3A = arith.constant 16 : i32
    %shift_left3A_2 = vector.broadcast %shift_left3A : i32 to vector<2048x32xi32>
    %shift_left3A_3 = arith.shli %bitcast_convert_type3A, %shift_left3A_2 : vector<2048x32xi32>
    %bitcast_convert_type3A_4 = tpu.bitcast %shift_left3A_3 : vector<2048x32xi32> -> vector<2048x32xf32>
    %and3A = arith.constant -65536 : i32
    %and3A_5 = vector.broadcast %and3A : i32 to vector<2048x32xi32>
    %and3A_6 = arith.andi %bitcast_convert_type3A, %and3A_5 : vector<2048x32xi32>
    %bitcast_convert_type3A_7 = tpu.bitcast %and3A_6 : vector<2048x32xi32> -> vector<2048x32xf32>
    %get3A_8 = arith.constant 0 : index
    %get3A_9 = arith.constant 0 : index
    %get3A_10 = vector.load %arg2[%get3A_8, %get3A_9] : memref<64x64xf32, #tpu.memory_space<vmem>>, vector<64x32xf32>
    %dot_general3A = arith.constant dense<0.000000e+00> : vector<64x2048xf32>
    %dot_general3A_11 = tpu.matmul %get3A_10, %bitcast_convert_type3A_4, %dot_general3A {dimension_numbers = #tpu.dot_dimension_numbers<[1], [1], [0], [0], [0, 0, 1, 0], [], []>, transpose_lhs_hint = false} : vector<64x32xf32>, vector<2048x32xf32>, vector<64x2048xf32> -> vector<64x2048xf32>
    %get3A_12 = arith.constant 0 : index
    %get3A_13 = arith.constant 32 : index
    %get3A_14 = vector.load %arg2[%get3A_12, %get3A_13] : memref<64x64xf32, #tpu.memory_space<vmem>>, vector<64x32xf32>
    %dot_general3A_15 = arith.constant dense<0.000000e+00> : vector<64x2048xf32>
    %dot_general3A_16 = tpu.matmul %get3A_14, %bitcast_convert_type3A_7, %dot_general3A_15 {dimension_numbers = #tpu.dot_dimension_numbers<[1], [1], [0], [0], [0, 0, 1, 0], [], []>, transpose_lhs_hint = false} : vector<64x32xf32>, vector<2048x32xf32>, vector<64x2048xf32> -> vector<64x2048xf32>
    %add3A = arith.addf %dot_general3A_11, %dot_general3A_16 : vector<64x2048xf32>
    %get3A_17 = arith.constant 0 : index
    %get3A_18 = arith.constant 0 : index
    %get3A_19 = vector.load %arg3[%get3A_17, %get3A_18] : memref<1x64xf32, #tpu.memory_space<vmem>>, vector<1x64xf32>
    %transpose3A = tpu.transpose %get3A_19, [1, 0] : vector<1x64xf32> -> vector<64x1xf32>
    %add3A_20 = vector.broadcast %transpose3A : vector<64x1xf32> to vector<64x2048xf32>
    %add3A_21 = arith.addf %add3A, %add3A_20 : vector<64x2048xf32>
    %ge3A = arith.constant 0.000000e+00 : f32
    %ge3A_22 = vector.broadcast %ge3A : f32 to vector<64x2048xf32>
    %ge3A_23 = arith.cmpf oge, %add3A_21, %ge3A_22 : vector<64x2048xf32>
    %mul3A = arith.constant 0.00999999977 : f32
    %mul3A_24 = vector.broadcast %mul3A : f32 to vector<64x2048xf32>
    %mul3A_25 = arith.mulf %mul3A_24, %add3A_21 : vector<64x2048xf32>
    %select_n3A = arith.select %ge3A_23, %add3A_21, %mul3A_25 : vector<64x2048xi1>, vector<64x2048xf32>
    %swap3A = arith.constant 0 : index
    %swap3A_26 = arith.constant 0 : index
    %swap3A_27 = arith.constant 0 : index
    %swap3A_28 = vector.load %arg4[%swap3A, %swap3A_26, %swap3A_27] : memref<1x64x2048xf32, #tpu.memory_space<vmem>>, vector<1x64x2048xf32>
    %swap3A_29 = vector.shape_cast %swap3A_28 : vector<1x64x2048xf32> to vector<64x2048xf32>
    %swap3A_30 = vector.shape_cast %select_n3A : vector<64x2048xf32> to vector<1x64x2048xf32>
    tpu.vector_store %arg4[%swap3A, %swap3A_26, %swap3A_27], %swap3A_30 {strides = array<i32>} : memref<1x64x2048xf32, #tpu.memory_space<vmem>>, vector<1x64x2048xf32>,
    return
  }
  func.func @transform_0(%arg0: i32) -> (i32, i32) {
    %c0_i32 = arith.constant 0 : i32
    %c0_i32_0 = arith.constant 0 : i32
    return %arg0, %c0_i32 : i32, i32
  }
  func.func @transform_1(%arg0: i32) -> (i32, i32) {
    %c0_i32 = arith.constant 0 : i32
    %c0_i32_0 = arith.constant 0 : i32
    %c0_i32_1 = arith.constant 0 : i32
    return %c0_i32, %c0_i32_0 : i32, i32
  }
  func.func @transform_2(%arg0: i32) -> (i32, i32) {
    %c0_i32 = arith.constant 0 : i32
    %c0_i32_0 = arith.constant 0 : i32
    %c0_i32_1 = arith.constant 0 : i32
    return %c0_i32, %c0_i32_0 : i32, i32
  }
  func.func @transform_3(%arg0: i32) -> (i32, i32, i32) {
    %c0_i32 = arith.constant 0 : i32
    %c0_i32_0 = arith.constant 0 : i32
    %c0_i32_1 = arith.constant 0 : i32
    return %c0_i32, %c0_i32_0, %arg0 : i32, i32, i32
  }
}

</mosaic_0001>

<sc_bundles>
// kernel: kernel.5.cloned.1.call-start
scs
__scs_entry_jumppad:
0x0: {  	(pc) =	sbr.rel $0x88, $3  }
0x1: {  	(tag) =	ssettag $0x0;
	lr =	simm.s32 $0x1  }
0x2: {  	[smem:$0x3F9D] =	sst lr;
	_ =	strace $0xD0000000  }
0x3: {  	_ = 	snop  }
0x4: {  	_ = 	snop  }
0x5: {  	_ = 	snop  }
0x6: {  	_ = 	snop  }
0x7: {  	_ = 	snop  }
__scs_overlays_trampoline_lowered:
0x8: {  	[smem:$0x3FAC] =	sst s0  }
0x9: {  	[smem:$0x3FAD] =	sst s1  }
0xa: {  	[smem:$0x3FAE] =	sst s2  }
0xb: {  	[smem:$0x3FAF] =	sst s3  }
0xc: {  	[smem:$0x3FB0] =	sst s4  }
0xd: {  	[smem:$0x3FB1] =	sst s5  }
0xe: {  	[smem:$0x3FB2] =	sst s6  }
0xf: {  	[smem:$0x3FB3] =	sst s7  }
0x10: {  	[smem:$0x3FB4] =	sst s8  }
0x11: {  	[smem:$0x3FB5] =	sst s9;
	s0 =	simm.s32 @!p0 $0x0  }
0x12: {  	s1 =	sld [smem:$0x3F9B];
	s0 =	simm.s32 @p0 $0x1  }
0x13: {  	[smem:$0x3FB6] =	sst s0;
	s0 =	simm.s32 @!p1 $0x0  }
0x14: {  	s2 =	sld [smem:$0x3F9A];
	s0 =	simm.s32 @p1 $0x1  }
0x15: {  	[smem:$0x3FB7] =	sst s0;
	s0 =	simm.s32 @!p2 $0x0  }
0x16: {  	s3 =	sld [smem:$0x3FDB];
	s0 =	simm.s32 @p2 $0x1  }
0x17: {  	s4 =	simm.s32 $0x1BF5;
	[smem:$0x3FB9] =	sst s0  }
0x18: {  	s0 =	sld [smem:$0x3F9C];
	_ =	swait.ge [sflag:s4], $0x0  }
0x19: {  	s7 =	sld [smem:$0x3F9D]  }
0x1a: {  	s8 =	sadd.s32 $0xFFFFE003, lr  }
0x1b: {  	s9 =	sadd.s32 $0xFFFFFEF7, lr;
	s5 =	simm.s32 $0xFFFFFFFF;
	p2 =	slt.u32 s8, $0xFFFFF086  }
0x1c: {  	p1 =	slt.u32 s9, $0xF7A;
	s5 =	simm.s32 @!p2 $0x0  }
0x1d: {  	s5 =	simm.s32 @p1 $0x1;
	p0 =	seq.s32 s7, s2  }
0x1e: {  	s7 =	smul.u32 @!p0 $0xF7A, s2;
	p2 =	seq.s32 @!p0 s5, $0x0  }
0x1f: {  	s9 =	smul.u32 $0xF7A, s1;
	s8 =	simm.s32 @!p0 $0x1BF5;
	p2 =	por !p2, p0  }
0x20: {  	[sflag:s8] =	ssyncset.s32 @!p0 $0xFFFFF086;
	s6 =	sadd.s32 @!p0 s3, s7;
	s7 =	simm.s32 @!p0 $0x108  }
0x21: {  	s3 =	sadd.s32 s3, s9;
	s6 =	sadd.s32 @!p0 $0x88, s6;
	s7 =	simm.s32 @p2 $0x1082  }
0x22: {  	[simem:s7], [sflag:s8] =	dma.local @!p0 [hbm:s6], $0xF7A  }
0x23: {  	s9 =	sor.u32 $0xD0000000, s2;
	s6 =	simm.s32 $0x108;
	_ =	swait.ge @!p0 [sflag:s8], $0x0  }
0x24: {  	s3 =	sadd.s32 $0x88, s3;
	s6 =	simm.s32 @!p1 $0x1082;
	[sflag:s4] =	ssyncset.s32 $0xFFFFF086  }
0x25: {  	[simem:s6], [sflag:s4] =	dma.local [hbm:s3], $0xF7A  }
0x26: {  	[smem:$0x3F9D] =	sst s1;
	(tag) =	ssettag s2;
	_ =	strace s9  }
0x27: {  	s1 =	sld [smem:$0x3FAD]  }
0x28: {  	s2 =	sld [smem:$0x3FAE]  }
0x29: {  	s4 =	sld [smem:$0x3FB0]  }
0x2a: {  	p0 =	seq.s32 s5, $0x0;
	s5 =	sld [smem:$0x3FB1]  }
0x2b: {  	s6 =	sld [smem:$0x3FB2]  }
0x2c: {  	s7 =	sld [smem:$0x3FB3]  }
0x2d: {  	s3 =	simm.s32 $0x108;
	s8 =	sld [smem:$0x3FB4]  }
0x2e: {  	s3 =	simm.s32 @!p0 $0x1082;
	s9 =	sld [smem:$0x3FB5]  }
0x2f: {  	lr =	sadd.s32 s0, s3;
	s0 =	sld [smem:$0x3FAC]  }
0x30: {  	s3 =	sld [smem:$0x3FAF]  }
0x31: {  	[smem:$0x3FB8] =	sst s10  }
0x32: {  	s10 =	sld [smem:$0x3FB6];
	_ =	sdelay $0x3  }
0x33: {  	p0 =	seq.s32 s10, $0x1;
	s10 =	sld [smem:$0x3FB8];
	_ =	sdelay $0x3  }
0x34: {  	[smem:$0x3FB8] =	sst s10  }
0x35: {  	s10 =	sld [smem:$0x3FB7];
	_ =	sdelay $0x3  }
0x36: {  	p1 =	seq.s32 s10, $0x1;
	s10 =	sld [smem:$0x3FB8];
	_ =	sdelay $0x3  }
0x37: {  	[smem:$0x3FB8] =	sst s10  }
0x38: {  	s10 =	sld [smem:$0x3FB9]  }
0x39: {  	_ = 	snop;
	(pc) =	sbr.ind lr, $3  }
0x3a: {  	_ = 	snop  }
0x3b: {  	_ = 	snop  }
0x3c: {  	p2 =	seq.s32 s10, $0x1;
	s10 =	sld [smem:$0x3FB8]  }
0x3d: {  	_ =	shalt  }
0x3e: {  	_ =	shalt  }
0x3f: {  	_ =	shalt  }
0x40: {  	_ =	shalt  }
0x41: {  	_ =	shalt  }
0x42: {  	_ =	shalt  }
0x43: {  	_ =	shalt  }
0x44: {  	_ =	shalt  }
0x45: {  	_ =	shalt  }
0x46: {  	_ =	shalt  }
0x47: {  	_ =	shalt  }
0x48: {  	_ =	shalt  }
0x49: {  	_ =	shalt  }
0x4a: {  	_ =	shalt  }
0x4b: {  	_ =	shalt  }
0x4c: {  	_ =	shalt  }
0x4d: {  	_ =	shalt  }
0x4e: {  	_ =	shalt  }
0x4f: {  	_ =	shalt  }
0x50: {  	_ =	shalt  }
0x51: {  	_ =	shalt  }
0x52: {  	_ =	shalt  }
0x53: {  	_ =	shalt  }
0x54: {  	_ =	shalt  }
0x55: {  	_ =	shalt  }
0x56: {  	_ =	shalt  }
0x57: {  	_ =	shalt  }
0x58: {  	_ =	shalt  }
0x59: {  	_ =	shalt  }
0x5a: {  	_ =	shalt  }
0x5b: {  	_ =	shalt  }
0x5c: {  	_ =	shalt  }
0x5d: {  	_ =	shalt  }
0x5e: {  	_ =	shalt  }
0x5f: {  	_ =	shalt  }
0x60: {  	_ =	shalt  }
0x61: {  	_ =	shalt  }
0x62: {  	_ =	shalt  }
0x63: {  	_ =	shalt  }
0x64: {  	_ =	shalt  }
0x65: {  	_ =	shalt  }
0x66: {  	_ =	shalt  }
0x67: {  	_ =	shalt  }
0x68: {  	_ =	shalt  }
0x69: {  	_ =	shalt  }
0x6a: {  	_ =	shalt  }
0x6b: {  	_ =	shalt  }
0x6c: {  	_ =	shalt  }
0x6d: {  	_ =	shalt  }
0x6e: {  	_ =	shalt  }
0x6f: {  	_ =	shalt  }
0x70: {  	_ =	shalt  }
0x71: {  	_ =	shalt  }
0x72: {  	_ =	shalt  }
0x73: {  	_ =	shalt  }
0x74: {  	_ =	shalt  }
0x75: {  	_ =	shalt  }
0x76: {  	_ =	shalt  }
0x77: {  	_ =	shalt  }
0x78: {  	_ =	shalt  }
0x79: {  	_ =	shalt  }
0x7a: {  	_ =	shalt  }
0x7b: {  	_ =	shalt  }
0x7c: {  	_ =	shalt  }
0x7d: {  	_ =	shalt  }
0x7e: {  	_ =	shalt  }
0x7f: {  	_ =	shalt  }
0x80: {  	_ =	shalt  }
0x81: {  	_ =	shalt  }
0x82: {  	_ =	shalt  }
0x83: {  	_ =	shalt  }
0x84: {  	_ =	shalt  }
0x85: {  	_ =	shalt  }
0x86: {  	_ =	shalt  }
0x87: {  	_ =	shalt  }
.Lfunc_end0:
.L_simem_size_0:
called_computation_lowered:
.L_overlay_start_0:
0x88: {  	s2 =	sld [smem:$0x3FD9]  }
0x89: {  	s3 =	sld [smem:$0x3FFE];
	_ =	sdelay $0x1  }
0x8a: {  	s1 =	srdreg.scid  }
0x8b: {  	s0 =	sand.u32 $0x1, s1  }
0x8c: {  	s17 =	sshll.u32 s0, $0xA;
	s2 =	sadd.s32 s3, s2  }
0x8d: {  	s2 =	sadd.s32 s2, s17  }
0x8e: {  	[smem:$0x3FC4] =	sst s2  }
0x8f: {  	_ = 	snop  }
0x90: {  	s2 =	sld [smem:$0x3FC9];
	(tm) =	ssettm $0x1  }
0x91: {  	s18 =	sld [smem:$0x3FFB];
	_ =	sdelay $0x3  }
0x92: {  	_ =	strace s18  }
0x93: {  	s3 =	sld [smem:$0x3FFC];
	_ =	sdelay $0x3  }
0x94: {  	_ =	strace s3  }
0x95: {  	s3 =	sld [smem:$0x3FFD];
	_ =	sdelay $0x3  }
0x96: {  	_ =	strace s3  }
0x97: {  	_ =	strace $0x8FFFFFFF  }
0x98: {  	s19 =	sld [smem:$0x3FDB];
	_ =	sdelay $0x1  }
0x99: {  	s4 =	simm.s32 $_scs_section_size  }
0x9a: {  	s5 =	simm.s32 $_size__tile_overlayer_lowered;
	s6 =	simm.s32 $_tile_overlayer_lowered  }
0x9b: {  	s22 =	simm.s32 $0x1BFF;
	s21 =	sshll.u32 s6, $0x1;
	s3 =	sadd.s32 s4, s19  }
0x9c: {  	s7 =	simm.s32 $0x0;
	s20 =	sshll.u32 s5, $0x1;
	s5 =	sadd.s32 s21, s3  }
0x9d: {  	[timem:s7], [sflag:s22] =	dma.local [hbm:s5], s20  }
0x9e: {  	_ =	swait.ge [sflag:s22], s20  }
0x9f: {  	s4 =	ssub.s32 $0x0, s20;
	[sflag:s22] =	ssyncset.done $0x0  }
0xa0: {  	[sflag:s22] =	ssyncadd.s32 s4;
	_ =	sdelay $0x1  }
0xa1: {  	s23 =	simm.s32 $0x1B8B  }
0xa2: {  	_ =	swait.ge [sflag:s23], $0x1  }
0xa3: {  	[sflag:s23] =	ssyncset.done $0x0  }
0xa4: {  	s25 =	simm.s32 $0x1B8E;
	s24 =	sld [smem:$0x3FFE];
	[sflag:s23] =	ssyncadd.s32 $0xFFFFFFFF  }
0xa5: {  	s26 =	simm.s32 $execute0_lowered;
	[smem:$0x3FD2] =	sst s25  }
0xa6: {  	s5 =	sshll.u32 s26, $0x1;
	_ =	strace $0x80000046;
	[dreg:$0x1] =	wrdreg $0xFFFFFFFF  }
0xa7: {  	s28 =	simm.s32 $_size_execute0_lowered;
	s3 =	sadd.s32 s3, s5;
	[dreg:$0x0] =	wrdreg $0x0  }
0xa8: {  	s5 =	sshll.u32 s28, $0x1;
	[dreg:$0x2] =	wrdreg s3  }
0xa9: {  	[dreg:$0x3] =	wrdreg s5  }
0xaa: {  	[dreg:$0x4] =	wrdreg $0xC0  }
0xab: {  	_ =	task [dreg:s7], $0x5FFFF  }
0xac: {  	[dreg:$0x1] =	wrdreg $0xFFFFFFFF  }
0xad: {  	[dreg:$0x0] =	wrdreg $0x60  }
0xae: {  	[dreg:$0x2] =	wrdreg s2  }
0xaf: {  	[dreg:$0x3] =	wrdreg s24  }
0xb0: {  	[dreg:$0x4] =	wrdreg $0x9  }
0xb1: {  	_ =	task.clear_ibuf [dreg:s7], $0x5FFFF;
	_ =	strace $0x90000046  }
0xb2: {  	s29 =	simm.s32 $0x9;
	_ =	strace $0x80000048  }
0xb3: {  	_ =	swait.ge [sflag:s29], $0x1  }
0xb4: {  	[sflag:s29] =	ssyncadd.s32 $0xFFFFFFFF  }
0xb5: {  	_ =	strace $0x90000048  }
0xb6: {  	_ =	sfence  }
0xb7: {  	s30 =	sld [smem:$0x0];
	_ =	sdelay $0x2  }
0xb8: {  	s31 =	sshll.u32 s1, $0xD;
	s1 =	sshrl.u32 s1, $0x2  }
0xb9: {  	s3 =	sand.u32 $0x4000, s31;
	s1 =	sadd.s32 s1, s30  }
0xba: {  	s0 =	sor.u32 s3, s0;
	s1 =	sshll.u32 s1, $0x11  }
0xbb: {  	s0 =	sor.u32 s1, s0  }
0xbc: {  	s0 =	sadd.s32 $0x8F2B, s0  }
0xbd: {  	[sflag:s0] =	ssyncadd.remote.s32 $0x1  }
0xbe: {  	_ =	sfence.sel $0xFFFF  }
0xbf: {  	[dreg:$0x0] =	wrdreg $0xFFFFFFFF;
	(pc) =	sbr.abs _section_cstart, $3  }
0xc0: {  	[dreg:$0x1] =	wrdreg $0xFFFFFFFF  }
0xc1: {  	_ =	task.clear_ibuf [dreg:s7], $0x2FFFF;
	_ =	strace $0x9FFFFFFF  }
0xc2: {  	(tm) =	ssettm $0x7FFFFFFF  }
0xc3: {  	_ =	shalt  }
tec
execute0_lowered:
.L_overlay_start_1:
0x0: {  	(tag) =	ssettag $0x1  }
0x1: {  	s4 =	rddreg [dreg:$0x0]  }
0x2: {  	s5 =	rddreg [dreg:$0x1]  }
0x3: {  	s0 =	rddreg [dreg:$0x2]  }
0x4: {  	s2 =	simm.s32 $0x0;
	s3 =	srdreg.scid;
	s1 =	stileid.u32  }
0x5: {  	s10 =	simm.s32 $0x400;
	s11 =	simm.s32 $0x280;
	s12 =	simm.s32 $0x1400  }
0x6: {  	s13 =	simm.s32 $0x300;
	s14 =	simm.s32 $0x2400;
	s15 =	simm.s32 $0x380  }
0x7: {  	s16 =	simm.s32 $0x3400;
	s17 =	simm.s32 $0x1;
	s18 =	simm.s32 $0x20  }
0x8: {  	[smem:$0x7FF] =	sst s2;
	s3 =	sand.u32 $0x1, s3;
	s6 =	sshll.u32 s1, $0x1  }
0x9: {  	_ =	strace $0x80000047;
	s6 =	sor.u32 s3, s6;
	s7 =	ssub.s32 $0x2, s3  }
0xa: {  	s3 =	sadd.s32 $0xA00, s5;
	s8 =	sshll.u32 s6, $0xD;
	s9 =	sshrl.u32 s7, $0x1  }
0xb: {  	s6 =	sshll.u32 s6, $0x6;
	s5 =	sadd.s32 s8, s5;
	s7 =	ssub.s32 s7, s9  }
0xc: {  	s4 =	sadd.s32 s4, s6;
	s8 =	simm.s32 $0x80;
	s9 =	simm.s32 $0x200  }
0xd: {  	s5 =	sadd.s32 $0xC4A00, s5;
	s6 =	smax.u32 s7, $0x1;
	s7 =	simm.s32 $0x2  }
.LBB2_1:
0xe: {  	[tilespmem:s2], [sflag:$0x2] =	stream.linear.gather [hbm4b:s4+s2], $0x200, $0x38;
	[tilespmem:$0x4400] =	vst v63  }
0xf: {  	_ =	swait.ge [sflag:s7], $0x200  }
0x10: {  	[sflag:s7] =	ssyncset.done $0x0  }
0x11: {  	[sflag:s7] =	ssyncadd.s32 $0xFFFFFE00  }
0x12: {  	v0 =	vld [tilespmem:$0x0]  }
0x13: {  	v1 =	vld [tilespmem:$0x10]  }
0x14: {  	v3 =	vld [tilespmem:$0x20]  }
0x15: {  	v5 =	vld [tilespmem:$0x30]  }
0x16: {  	v7 =	vld [tilespmem:$0x40]  }
0x17: {  	v9 =	vld [tilespmem:$0x50]  }
0x18: {  	v50 =	vld [tilespmem:$0x60]  }
0x19: {  	v55 =	vld [tilespmem:$0x70];
	v2 =	vshll.u32 v0, $0x2  }
0x1a: {  	v58 =	vld [tilespmem:$0x80];
	v4 =	vand.u32 $0xFFFFF800, v0;
	v0 =	vshrl.u32 v0, $0x9;
	v45 =	vshll.u32 v1, $0x2  }
0x1b: {  	v60 =	vld [tilespmem:$0x90];
	v6 =	vand.u32 $0xFFFFF800, v1;
	v1 =	vshrl.u32 v1, $0x9;
	v47 =	vand.u32 $0xFFFFF800, v3  }
0x1c: {  	v13 =	vld [tilespmem:$0xA0];
	v48 =	vshll.u32 v3, $0x2;
	v3 =	vshrl.u32 v3, $0x9;
	v8 =	vshll.u32 v5, $0x2  }
0x1d: {  	v15 =	vld [tilespmem:$0xB0];
	v10 =	vand.u32 $0xFFFFF800, v5;
	v5 =	vshrl.u32 v5, $0x9;
	v51 =	vand.u32 $0xFFFFF800, v7  }
0x1e: {  	v21 =	vld [tilespmem:$0xC0];
	v52 =	vshll.u32 v7, $0x2;
	v53 =	vshrl.u32 v7, $0x9;
	v54 =	vshll.u32 v9, $0x2  }
0x1f: {  	v25 =	vld [tilespmem:$0xD0];
	v11 =	vand.u32 $0xFFFFF800, v9;
	v9 =	vshrl.u32 v9, $0x9;
	v57 =	vshll.u32 v50, $0x2  }
0x20: {  	v28 =	vld [tilespmem:$0xE0];
	v59 =	vand.u32 $0xFFFFF800, v50;
	v61 =	vshll.u32 v55, $0x2;
	v12 =	vand.u32 $0xFFFFF800, v55  }
0x21: {  	v37 =	vld [tilespmem:$0x120];
	v63 =	vand.u32 $0xFFFFF800, v58;
	v19 =	vshll.u32 v58, $0x2;
	v14 =	vshll.u32 v60, $0x2  }
0x22: {  	v16 =	vand.u32 $0xFFFFF800, v60;
	v22 =	vand.u32 $0xFFFFF800, v13;
	v23 =	vshll.u32 v13, $0x2  }
0x23: {  	v13 =	vshrl.u32 v13, $0x9;
	v24 =	vshll.u32 v15, $0x2;
	v17 =	vand.u32 $0xFFFFF800, v15  }
0x24: {  	v15 =	vshrl.u32 v15, $0x9;
	v27 =	vshll.u32 v21, $0x2;
	v29 =	vand.u32 $0xFFFFF800, v21  }
0x25: {  	v31 =	vshll.u32 v25, $0x2;
	v18 =	vand.u32 $0xFFFFF800, v25;
	v33 =	vand.u32 $0xFFFFF800, v28  }
0x26: {  	v43 =	vld [tilespmem:$0x140];
	v34 =	vshll.u32 v28, $0x2;
	v44 =	vshll.u32 v37, $0x2;
	v2 =	vand.u32 $0x7FC, v2  }
0x27: {  	v0 =	vand.u32 $0x3, v0;
	v1 =	vand.u32 $0x3, v1;
	v3 =	vand.u32 $0x3, v3  }
0x28: {  	v8 =	vand.u32 $0x7FC, v8;
	v5 =	vand.u32 $0x3, v5;
	v7 =	vand.u32 $0x7FC, v54  }
0x29: {  	v56 =	vand.u32 $0x3, v9;
	v9 =	vand.u32 $0x7FC, v61;
	v14 =	vand.u32 $0x7FC, v14  }
0x2a: {  	v13 =	vand.u32 $0x3, v13;
	v26 =	vand.u32 $0x3, v15;
	v15 =	vand.u32 $0x7FC, v31  }
0x2b: {  	v54 =	vand.u32 $0xFFFFF800, v43;
	v2 =	vor.u32 v4, v2;
	v4 =	vand.u32 $0x7FC, v45  }
0x2c: {  	v49 =	vor.u32 v10, v8;
	v7 =	vor.u32 v11, v7;
	v10 =	vshrl.u32 v55, $0x9  }
0x2d: {  	v9 =	vor.u32 v12, v9;
	v12 =	vand.u32 $0x7FC, v19;
	v11 =	vshrl.u32 v60, $0x9  }
0x2e: {  	v30 =	vld [tilespmem:$0xF0];
	v20 =	vor.u32 v16, v14;
	v14 =	vand.u32 $0x7FC, v24;
	v16 =	vshrl.u32 v25, $0x9  }
0x2f: {  	v15 =	vor.u32 v18, v15;
	v18 =	vand.u32 $0x7FC, v34;
	v45 =	vand.u32 $0xFFFFF800, v37  }
0x30: {  	v41 =	vld [tilespmem:$0x130];
	v0 =	vor.u32 v0, v2;
	v46 =	vor.u32 v6, v4;
	v6 =	vand.u32 $0x7FC, v48  }
0x31: {  	v62 =	vand.u32 $0x3, v10;
	v10 =	vor.u32 v63, v12;
	v11 =	vand.u32 $0x3, v11  }
0x32: {  	v12 =	vand.u32 $0x7FC, v23;
	v14 =	vor.u32 v17, v14;
	v32 =	vand.u32 $0x3, v16  }
0x33: {  	v17 =	vshrl.u32 v30, $0x9;
	v16 =	vor.u32 v33, v18;
	v4 =	vor.u32 v47, v6  }
0x34: {  	v8 =	vor.u32 v1, v46;
	v1 =	vor.u32 v5, v49;
	v5 =	vand.u32 $0x7FC, v52  }
0x35: {  	v6 =	vand.u32 $0x3, v53;
	v17 =	vand.u32 $0x3, v17;
	v46 =	vshll.u32 v41, $0x2  }
0x36: {  	v19 =	vld [tilespmem:$0x100];
	v49 =	vand.u32 $0xFFFFF800, v41;
	v52 =	vshll.u32 v43, $0x2;
	v2 =	vor.u32 v3, v4  }
0x37: {  	v24 =	vld [tilespmem:$0x190];
	v4 =	vor.u32 v51, v5;
	v5 =	vor.u32 v56, v7;
	v3 =	vshrl.u32 v50, $0x9  }
0x38: {  	v7 =	vshrl.u32 v58, $0x9;
	v50 =	vand.u32 $0x7FC, v46;
	v51 =	vshrl.u32 v41, $0x9  }
0x39: {  	v4 =	vor.u32 v6, v4;
	v6 =	vand.u32 $0x7FC, v57;
	v3 =	vand.u32 $0x3, v3  }
0x3a: {  	v7 =	vand.u32 $0x3, v7;
	v55 =	vand.u32 $0x3, v51;
	v6 =	vor.u32 v59, v6  }
0x3b: {  	v7 =	vor.u32 v7, v10;
	v10 =	vshrl.u32 v21, $0x9;
	v38 =	vand.u32 $0xFFFFF800, v19  }
0x3c: {  	v63 =	vld [tilespmem:$0x180];
	v39 =	vshll.u32 v19, $0x2;
	v19 =	vshrl.u32 v19, $0x9;
	v31 =	vshll.u32 v24, $0x2  }
0x3d: {  	v33 =	vand.u32 $0xFFFFF800, v24;
	v3 =	vor.u32 v3, v6;
	v6 =	vor.u32 v62, v9  }
0x3e: {  	v47 =	vld [tilespmem:$0x150];
	v9 =	vor.u32 v11, v20;
	v11 =	vor.u32 v22, v12;
	v12 =	vor.u32 v26, v14  }
0x3f: {  	v53 =	vld [tilespmem:$0x160];
	v10 =	vand.u32 $0x3, v10;
	v14 =	vshrl.u32 v28, $0x9;
	v20 =	vshll.u32 v30, $0x2  }
0x40: {  	[tilespmem:$0x210] =	vst v8;
	v22 =	vand.u32 $0xFFFFF800, v30;
	v18 =	vand.u32 $0x7FC, v39;
	v19 =	vand.u32 $0x3, v19  }
0x41: {  	[tilespmem:$0x280] =	vst v7;
	v30 =	vand.u32 $0xFFFFF800, v63;
	v8 =	vshrl.u32 v63, $0x9;
	v7 =	vshrl.u32 v24, $0x9  }
0x42: {  	v11 =	vor.u32 v13, v11;
	v13 =	vand.u32 $0x7FC, v27;
	v14 =	vand.u32 $0x3, v14  }
0x43: {  	v20 =	vand.u32 $0x7FC, v20;
	v58 =	vshll.u32 v47, $0x2;
	v59 =	vand.u32 $0xFFFFF800, v47  }
0x44: {  	v60 =	vshrl.u32 v47, $0x9;
	v62 =	vshll.u32 v53, $0x2;
	v8 =	vand.u32 $0x3, v8  }
0x45: {  	v57 =	vld [tilespmem:$0x170];
	v7 =	vand.u32 $0x3, v7;
	v13 =	vor.u32 v29, v13;
	v35 =	vor.u32 v22, v20  }
0x46: {  	v21 =	vld [tilespmem:$0x110];
	[tilespmem:$0x240] =	vst v4;
	v14 =	vor.u32 v14, v16;
	v16 =	vshrl.u32 v37, $0x9;
	v4 =	vand.u32 $0x7FC, v58  }
0x47: {  	[tilespmem:$0x250] =	vst v5;
	v61 =	vand.u32 $0x3, v60;
	v5 =	vand.u32 $0x7FC, v62;
	v22 =	vshrl.u32 v53, $0x9  }
0x48: {  	v29 =	vshll.u32 v63, $0x2;
	v10 =	vor.u32 v10, v13;
	v13 =	vor.u32 v32, v15  }
0x49: {  	v36 =	vor.u32 v17, v35;
	v17 =	vor.u32 v38, v18;
	v16 =	vand.u32 $0x3, v16  }
0x4a: {  	[tilespmem:$0x200] =	vst v0;
	v28 =	vld [tilespmem:$0x1A0];
	v4 =	vor.u32 v59, v4;
	v25 =	vand.u32 $0xFFFFF800, v57;
	v26 =	vshrl.u32 v57, $0x9  }
0x4b: {  	[tilespmem:$0x270] =	vst v6;
	v6 =	vand.u32 $0x3, v22;
	v40 =	vshll.u32 v21, $0x2;
	v23 =	vand.u32 $0xFFFFF800, v21  }
0x4c: {  	[tilespmem:$0x260] =	vst v3;
	v21 =	vshrl.u32 v21, $0x9;
	v17 =	vor.u32 v19, v17;
	v19 =	vand.u32 $0x7FC, v44  }
0x4d: {  	v3 =	vor.u32 v61, v4;
	v27 =	vand.u32 $0x3, v26;
	[tilespmem:$0x2C0] =	vst v10;
	v10 =	vand.u32 $0x7FC, v31  }
0x4e: {  	[tilespmem:$0x230] =	vst v1;
	v20 =	vand.u32 $0x7FC, v40;
	v42 =	vand.u32 $0x3, v21;
	v19 =	vor.u32 v45, v19  }
0x4f: {  	v37 =	vld [tilespmem:$0x1D0];
	[tilespmem:$0x2F0] =	vst v36;
	v21 =	vshrl.u32 v43, $0x9;
	v34 =	vshll.u32 v28, $0x2;
	v36 =	vand.u32 $0xFFFFF800, v28  }
0x50: {  	[tilespmem:$0x290] =	vst v9;
	v9 =	vshrl.u32 v28, $0x9;
	v20 =	vor.u32 v23, v20;
	v48 =	vor.u32 v16, v19  }
0x51: {  	[tilespmem:$0x220] =	vst v2;
	v16 =	vor.u32 v49, v50;
	v19 =	vand.u32 $0x7FC, v52;
	v56 =	vand.u32 $0x3, v21  }
0x52: {  	[tilespmem:$0x2B0] =	vst v12;
	v32 =	vld [tilespmem:$0x1B0];
	v21 =	vand.u32 $0xFFFFF800, v53;
	v23 =	vshll.u32 v57, $0x2;
	v9 =	vand.u32 $0x3, v9  }
0x53: {  	[tilespmem:$0x2A0] =	vst v11;
	v35 =	vld [tilespmem:$0x1C0];
	v18 =	vor.u32 v42, v20;
	v2 =	vor.u32 v54, v19;
	v1 =	vor.u32 v55, v16  }
0x54: {  	[tilespmem:$0x2E0] =	vst v14;
	v4 =	vor.u32 v21, v5;
	v5 =	vand.u32 $0x7FC, v23;
	v49 =	vshll.u32 v37, $0x2  }
0x55: {  	[tilespmem:$0x2D0] =	vst v13;
	v51 =	vand.u32 $0xFFFFF800, v37;
	v52 =	vshrl.u32 v37, $0x9;
	v2 =	vor.u32 v56, v2  }
0x56: {  	[tilespmem:$0x300] =	vst v17;
	v5 =	vor.u32 v25, v5;
	v4 =	vor.u32 v6, v4;
	v6 =	vand.u32 $0x7FC, v29  }
0x57: {  	[tilespmem:$0x350] =	vst v3;
	v40 =	vshll.u32 v32, $0x2;
	v41 =	vand.u32 $0xFFFFF800, v32;
	v42 =	vshrl.u32 v32, $0x9  }
0x58: {  	v45 =	vld [tilespmem:$0x1E0];
	[tilespmem:$0x320] =	vst v48;
	v44 =	vshll.u32 v35, $0x2;
	v46 =	vand.u32 $0xFFFFF800, v35;
	v48 =	vshrl.u32 v35, $0x9  }
0x59: {  	[tilespmem:$0x310] =	vst v18;
	v3 =	vand.u32 $0x7FC, v49;
	v53 =	vand.u32 $0x3, v52;
	v5 =	vor.u32 v27, v5  }
0x5a: {  	[tilespmem:$0x330] =	vst v1;
	v6 =	vor.u32 v30, v6;
	v43 =	vand.u32 $0x3, v42;
	v47 =	vand.u32 $0x7FC, v44  }
0x5b: {  	v50 =	vld [tilespmem:$0x1F0];
	[tilespmem:$0x360] =	vst v4;
	v3 =	vor.u32 v51, v3;
	v4 =	vand.u32 $0x3, v48;
	v6 =	vor.u32 v8, v6  }
0x5c: {  	[tilespmem:$0x340] =	vst v2;
	v8 =	vor.u32 v33, v10;
	v10 =	vand.u32 $0x7FC, v34;
	v2 =	vor.u32 v46, v47  }
0x5d: {  	[tilespmem:$0x370] =	vst v5;
	v55 =	vor.u32 v53, v3;
	v56 =	vshll.u32 v45, $0x2;
	v57 =	vand.u32 $0xFFFFF800, v45  }
0x5e: {  	v58 =	vshrl.u32 v45, $0x9;
	v10 =	vor.u32 v36, v10;
	v38 =	vor.u32 v7, v8;
	[tilespmem:$0x380] =	vst v6  }
0x5f: {  	v8 =	vand.u32 $0x7FC, v40;
	v54 =	vor.u32 v4, v2;
	v3 =	vand.u32 $0x7FC, v56;
	[tilespmem:$0x3D0] =	vst v55  }
0x60: {  	v59 =	vand.u32 $0x3, v58;
	v60 =	vshll.u32 v50, $0x2;
	v61 =	vand.u32 $0xFFFFF800, v50;
	[tilespmem:$0x390] =	vst v38  }
0x61: {  	v62 =	vshrl.u32 v50, $0x9;
	v39 =	vor.u32 v9, v10;
	v1 =	vor.u32 v41, v8;
	[tilespmem:$0x3C0] =	vst v54  }
0x62: {  	v3 =	vor.u32 v57, v3;
	v4 =	vand.u32 $0x7FC, v60;
	v1 =	vor.u32 v43, v1;
	[tilespmem:$0x3A0] =	vst v39  }
0x63: {  	v63 =	vand.u32 $0x3, v62;
	v0 =	vor.u32 v61, v4;
	[tilespmem:$0x3B0] =	vst v1;
	v1 =	vor.u32 v59, v3  }
0x64: {  	v0 =	vor.u32 v63, v0;
	[tilespmem:$0x3E0] =	vst v1  }
0x65: {  	[tilespmem:$0x3F0] =	vst v0  }
0x66: {  	[tilespmem:s10], [sflag:$0x1] =	stream.indirect.gather [hbm4b:s3+s8], $0x20, s9, s8, $0xb8;
	[tilespmem:$0x4400] =	vst v63  }
0x67: {  	_ = 	snop  }
0x68: {  	[tilespmem:s12], [sflag:$0x1] =	stream.indirect.gather [hbm4b:s3+s8], $0x20, s11, s8, $0xb8;
	[tilespmem:$0x4400] =	vst v63  }
0x69: {  	_ = 	snop  }
0x6a: {  	[tilespmem:s14], [sflag:$0x1] =	stream.indirect.gather [hbm4b:s3+s8], $0x20, s13, s8, $0xb8;
	[tilespmem:$0x4400] =	vst v63  }
0x6b: {  	_ = 	snop  }
0x6c: {  	[tilespmem:s16], [sflag:$0x1] =	stream.indirect.gather [hbm4b:s3+s8], $0x20, s15, s8, $0xb8;
	[tilespmem:$0x4400] =	vst v63  }
0x6d: {  	_ =	swait.ge [sflag:s17], $0x1000  }
0x6e: {  	[sflag:s17] =	ssyncset.done $0x0  }
0x6f: {  	[sflag:s17] =	ssyncadd.s32 $0xFFFFF000  }
0x70: {  	_ =	swait.ge [sflag:s17], $0x1000  }
0x71: {  	[sflag:s17] =	ssyncset.done $0x0  }
0x72: {  	[sflag:s17] =	ssyncadd.s32 $0xFFFFF000  }
0x73: {  	_ =	swait.ge [sflag:s17], $0x1000  }
0x74: {  	[sflag:s17] =	ssyncset.done $0x0  }
0x75: {  	[sflag:s17] =	ssyncadd.s32 $0xFFFFF000  }
0x76: {  	_ =	swait.ge [sflag:s17], $0x1000  }
0x77: {  	p0 =	sne.s32 s6, $0x1;
	[sflag:s17] =	ssyncset.done $0x0  }
.Ltmp0:
0x78: {  	[sflag:s17] =	ssyncadd.s32 $0xFFFFF000;
	(pc) =	sbr.rel @p0 .LBB2_1-.Ltmp0, $4  }
0x79: {  	[hbm4b:s5+s18] =	stream.strided.scatter [tilespmem:s10], [sflag:$0x2], $0x4000, s8, s18, $0x38;
	[tilespmem:$0x4400] =	vst v63  }
0x7a: {  	_ =	swait.ge [sflag:s7], $0x4000  }
0x7b: {  	[sflag:s7] =	ssyncset.done $0x0  }
0x7c: {  	s6 =	sadd.s32 $0xFFFFFFFF, s6;
	[sflag:s7] =	ssyncadd.s32 $0xFFFFC000  }
0x7d: {  	_ =	sfence.sel $0x180000  }
0x7e: {  	[bflag:$0x0] =	sbarrier.arrive $0xFFFF  }
0x7f: {  	p0 =	sne.s32 s1, $0x0;
	_ =	strace $0x90000047  }
0x80: {  	s0 =	sadd.s32 @!p0 $0x100000, s0;
	[bflag:$0x2] =	sbarrier.arrive $0xFFFF  }
0x81: {  	[sflag:s0] =	ssyncadd.tile.s32 @!p0 $0x1;
	_ =	shalt  }
.Lfunc_end2:
_tile_overlayer_lowered:
.L_overlay_start_2:
0x82: {  	(tag) =	ssettag $0x2  }
0x83: {  	s0 =	rddreg [dreg:$0x0];
	s2 =	stileid.u32  }
0x84: {  	s1 =	rddreg [dreg:$0x1];
	p0 =	sne.s32 s2, $0x0  }
0x85: {  	s3 =	rddreg [dreg:$0x2];
	[bflag:$0x3] =	sbarrier.arrive $0xFFFF;
	s2 =	simm.s32 @!p0 $0x1C02  }
0x86: {  	[timem:s3], [sflag:s2] =	dma.local @!p0 [hbm:s0], s1  }
0x87: {  	s0 =	simm.s32 @!p0 $0x2  }
0x88: {  	_ =	swait.ge @!p0 [sflag:s0], s1  }
0x89: {  	s1 =	ssub.s32 @!p0 $0x0, s1;
	[sflag:s0] =	ssyncset.done @!p0 $0x0  }
0x8a: {  	[sflag:s0] =	ssyncadd.s32 @!p0 s1  }
0x8b: {  	[bflag:$0x3] =	sbarrier.arrive $0xFFFF  }
0x8c: {  	_ =	shalt  }

</sc_bundles>
